<compile_context>
chip_gen: v7x
topology: tpu7x:2x2x1
jax: 0.10.2.dev20260603
libtpu: 0.0.44.dev20260713+nightly
codegen_flags: <defaults>
</compile_context>

<pallas_src>
import functools

import numpy as np

import jax
import jax.numpy as jnp
from jax import lax
from jax.experimental import pallas as pl
from jax.experimental.pallas import tpu as pltpu
from jax.experimental.pallas import tpu_sc as plsc

B = 32
N = 1000
F = 64
D = 64
K = 20
HID = 16
BN_T = B * N
KPAD = 32

_HIGHEST = lax.Precision.HIGHEST


def _graph_build_body(emb_ref, idx2_ref):
    w = emb_ref[:]
    sq = jnp.sum(w * w, axis=1, keepdims=True)
    nrm_col = jnp.sqrt(jnp.sum(w * w, axis=1))
    nrm_row = jnp.sqrt(sq)
    cos = lax.dot_general(w, w, (((1,), (1,)), ((), ())),
                          preferred_element_type=jnp.float32,
                          precision=_HIGHEST)
    cos = cos / (nrm_row * nrm_col)
    colio = lax.broadcasted_iota(jnp.int32, (N, N), 1)
    vals = cos
    cols = []
    for _ in range(K):
        m = jnp.max(vals, axis=1, keepdims=True)
        cand = jnp.where(vals == m, colio, jnp.int32(N + 1))
        it = jnp.min(cand, axis=1)
        cols.append(it[:, None])
        vals = jnp.where(colio == it[:, None], -jnp.inf, vals)
    rowio = lax.broadcasted_iota(jnp.int32, (N, 1), 0)
    for _ in range(KPAD - K):
        cols.append(rowio)
    idx2_ref[:] = jnp.concatenate(cols, axis=1)


def _graph_build(embedding):
    return pl.pallas_call(
        _graph_build_body,
        out_shape=jax.ShapeDtypeStruct((N, KPAD), jnp.int32),
    )(embedding)


def _dense_pre_body(x_ref, linw_ref, attij_ref, emb_ref, attem_ref,
                    xlin_ref, aiaj_ref):
    x = x_ref[:]
    xlin = lax.dot_general(x, linw_ref[:], (((1,), (0,)), ((), ())),
                           preferred_element_type=jnp.float32,
                           precision=_HIGHEST)
    xlin_ref[:] = xlin
    al = lax.dot_general(xlin, attij_ref[:], (((1,), (0,)), ((), ())),
                         preferred_element_type=jnp.float32,
                         precision=_HIGHEST)
    eal = lax.dot_general(emb_ref[:], attem_ref[:], (((1,), (0,)), ((), ())),
                          preferred_element_type=jnp.float32,
                          precision=_HIGHEST)
    eal2 = jnp.concatenate([eal, eal], axis=0)
    aiaj_ref[:] = al + eal2


def _dense_pre(x2d, lin_W, att_ij, embedding, att_em_ij):
    RB = 2 * N
    grid = (BN_T // RB,)
    return pl.pallas_call(
        _dense_pre_body,
        grid=grid,
        in_specs=[
            pl.BlockSpec((RB, F), lambda i: (i, 0)),
            pl.BlockSpec((F, D), lambda i: (0, 0)),
            pl.BlockSpec((D, 2), lambda i: (0, 0)),
            pl.BlockSpec((N, F), lambda i: (0, 0)),
            pl.BlockSpec((F, 2), lambda i: (0, 0)),
        ],
        out_specs=[
            pl.BlockSpec((RB, D), lambda i: (i, 0)),
            pl.BlockSpec((RB, 2), lambda i: (i, 0)),
        ],
        out_shape=[
            jax.ShapeDtypeStruct((BN_T, D), jnp.float32),
            jax.ShapeDtypeStruct((BN_T, 2), jnp.float32),
        ],
    )(x2d, lin_W, att_ij, embedding, att_em_ij)


def _cnn_body(pat_ref, w1_ref, b1_ref, w2a, w2b, w2c, w2d, b2_ref, out_ref):
    f = lax.dot_general(pat_ref[:], w1_ref[:], (((1,), (0,)), ((), ())),
                        preferred_element_type=jnp.float32,
                        precision=_HIGHEST) + b1_ref[:]
    f = jnp.maximum(f, 0.0)
    wrefs = [w2a, w2b, w2c, w2d]
    acc = b2_ref[:]
    for d2i in range(2):
        for d2j in range(2):
            q = d2i * 2 + d2j
            blks = []
            for pi0 in range(2):
                for pj0 in range(2):
                    c = (2 * d2i + pi0) * 4 + (2 * d2j + pj0)
                    blks.append(f[c * (B * 16):(c + 1) * (B * 16)])
            pooled = jnp.maximum(jnp.maximum(blks[0], blks[1]),
                                 jnp.maximum(blks[2], blks[3]))
            acc = acc + lax.dot_general(pooled, wrefs[q][:],
                                        (((1,), (0,)), ((), ())),
                                        preferred_element_type=jnp.float32,
                                        precision=_HIGHEST)
    z = jnp.maximum(acc, 0.0)
    out_ref[:] = jnp.max(z.reshape(B, 16, D), axis=1)


def _cnn(pat1, w1r, b1, w2rs, b2):
    return pl.pallas_call(
        _cnn_body,
        out_shape=jax.ShapeDtypeStruct((B, D), jnp.float32),
    )(pat1, w1r, b1, *w2rs, b2)


_SC_CHUNK = 125


def _sc_body(xlin_hbm, aiaj_hbm, idx_hbm, out_hbm, xlin_v, ai_v, aj_v, idx_v,
             out_v):
    info = plsc.get_sparse_core_info()
    nc = info.num_cores
    wid = lax.axis_index("s") * nc + lax.axis_index("c")
    pltpu.sync_copy(xlin_hbm.at[pl.ds(wid * (N * D), N * D)], xlin_v)
    pltpu.sync_copy(aiaj_hbm.at[0, wid], ai_v)
    pltpu.sync_copy(aiaj_hbm.at[1, wid], aj_v)
    pltpu.sync_copy(idx_hbm, idx_v)

    kv1 = lax.iota(jnp.int32, 16) + 16

    def node_body(nl, c):
        n = c * _SC_CHUNK + nl
        nv = jnp.full((16,), n, dtype=jnp.int32)
        vi0 = idx_v[pl.ds(n * KPAD, 16)]
        vi1 = idx_v[pl.ds(n * KPAD + 16, 16)]
        av = plsc.load_gather(ai_v, [nv])
        g0 = plsc.load_gather(aj_v, [vi0])
        g1 = plsc.load_gather(aj_v, [vi1])
        a0 = av + g0
        a0 = jnp.where(a0 > 0, a0, 0.2 * a0)
        a0 = jnp.where(vi0 == nv, jnp.float32(-1e9), a0)
        a1 = av + g1
        a1 = jnp.where(a1 > 0, a1, 0.2 * a1)
        inv1 = ((vi1 == nv) & (kv1 < K)) | (kv1 > K)
        a1 = jnp.where(inv1, jnp.float32(-1e9), a1)
        m = jnp.maximum(jnp.max(a0), jnp.max(a1))
        e0 = jnp.exp(a0 - m)
        e1 = jnp.exp(a1 - m)
        s = jnp.sum(e0) + jnp.sum(e1) + jnp.float32(1e-16)
        w0 = e0 / s
        w1 = e1 / s

        acc = [jnp.zeros((16,), jnp.float32) for _ in range(4)]
        for k in range(K + 1):
            if k < 16:
                j = vi0[k]
                wk = w0[k]
            else:
                j = vi1[k - 16]
                wk = w1[k - 16]
            base = j * D
            for d in range(4):
                row = xlin_v[pl.ds(base + d * 16, 16)]
                acc[d] = acc[d] + wk * row
        ob = nl * D
        for d in range(4):
            out_v[pl.ds(ob + d * 16, 16)] = acc[d]
        return c

    def chunk_body(c, _):
        lax.fori_loop(0, _SC_CHUNK, node_body, c)
        pltpu.sync_copy(
            out_v,
            out_hbm.at[pl.ds(wid * (N * D) + c * (_SC_CHUNK * D),
                             _SC_CHUNK * D)])
        return 0

    lax.fori_loop(0, N // _SC_CHUNK, chunk_body, 0)


def _sc_aggregate(xlin_flat, aiaj, idx_flat):
    mesh = plsc.VectorSubcoreMesh(core_axis_name="c", subcore_axis_name="s")
    fn = functools.partial(
        pl.kernel,
        mesh=mesh,
        compiler_params=pltpu.CompilerParams(needs_layout_passes=False),
        out_type=jax.ShapeDtypeStruct((BN_T * D,), jnp.float32),
        scratch_types=[
            pltpu.VMEM((N * D,), jnp.float32),
            pltpu.VMEM((N,), jnp.float32),
            pltpu.VMEM((N,), jnp.float32),
            pltpu.VMEM((N * KPAD,), jnp.int32),
            pltpu.VMEM((_SC_CHUNK * D,), jnp.float32),
        ],
    )(_sc_body)
    return fn(xlin_flat, aiaj, idx_flat)


def _post_body(*refs):
    (g_ref, pi_ref, emb_ref, g1_ref, b1_ref, go_ref, bo_ref, ow_ref, ob_ref,
     out_ref) = refs
    pi = pi_ref[:]
    mu2 = jnp.mean(pi, axis=0, keepdims=True)
    va2 = jnp.mean((pi - mu2) * (pi - mu2), axis=0, keepdims=True)
    pi = (pi - mu2) / jnp.sqrt(va2 + 1e-5) * g1_ref[:] + b1_ref[:]
    g = g_ref[:]
    mu = jnp.mean(g, axis=0, keepdims=True)
    va = jnp.mean((g - mu) * (g - mu), axis=0, keepdims=True)
    out_t = (g - mu) / jnp.sqrt(va + 1e-5) * g1_ref[:] + b1_ref[:]
    pi_t = jnp.broadcast_to(pi[None], (N, B, D)).reshape(BN_T, D)
    emb_t = jnp.broadcast_to(emb_ref[:][None], (B, N, D)).reshape(BN_T, D)
    z = jnp.maximum(out_t * pi_t, 0.0) * emb_t
    mu3 = jnp.mean(z, axis=0, keepdims=True)
    va3 = jnp.mean((z - mu3) * (z - mu3), axis=0, keepdims=True)
    z = (z - mu3) / jnp.sqrt(va3 + 1e-5) * go_ref[:] + bo_ref[:]
    z = jnp.maximum(z, 0.0)
    out_ref[:] = jnp.sum(z * ow_ref[:], axis=1, keepdims=True) + ob_ref[:]


def _post(gout, pi, embedding, bn1_g, bn1_b, bn_out_g, bn_out_b, ow, ob):
    return pl.pallas_call(
        _post_body,
        out_shape=jax.ShapeDtypeStruct((BN_T, 1), jnp.float32),
    )(gout, pi, embedding, bn1_g, bn1_b, bn_out_g, bn_out_b, ow, ob)


def kernel(data, PI, org_edge_index, embedding, lin_W, att_i, att_j,
           att_em_i, att_em_j, gl_bias, bn1_g, bn1_b, conv1_W, conv1_b,
           conv2_W, conv2_b, bn_out_g, bn_out_b, out_W, out_b):
    x2d = data.reshape(BN_T, F)
    att_ij = jnp.stack([att_i, att_j], axis=1)
    att_em_ij = jnp.stack([att_em_i, att_em_j], axis=1)

    idx2 = _graph_build(embedding)
    xlin, aiaj = _dense_pre(x2d, lin_W, att_ij, embedding, att_em_ij)

    pat1 = (PI.reshape(B, 4, 4, 2, 4, 4, 2)
            .transpose(2, 5, 0, 1, 4, 3, 6).reshape(-1, 4))
    w1r = conv1_W.reshape(HID, 4).T
    w2rs = [conv2_W[:, :, d2i, d2j].T for d2i in range(2) for d2j in range(2)]
    pi_feat = _cnn(pat1, w1r, conv1_b[None, :], w2rs, conv2_b[None, :])

    aiaj_t = aiaj.T.reshape(2, B, N)
    gout_flat = _sc_aggregate(xlin.reshape(-1), aiaj_t, idx2.reshape(-1))
    gout = gout_flat.reshape(BN_T, D)

    out = _post(gout, pi_feat, embedding, bn1_g[None, :], bn1_b[None, :],
                bn_out_g[None, :], bn_out_b[None, :], out_W.T, out_b[None, :])
    return out.reshape(B, N)

# --- scband reference (transcript-rebuilt; emitter-appended) ---
"""Pipeline reference for scband-gdn-14723147891055 (READ-ONLY COPY).

The authoritative reference and input builder live on the scoring server;
editing this copy changes nothing except your own understanding.
"""

import jax, jax.numpy as jnp
import numpy as np

BATCH = 32
NODE_NUM = 1000
INPUT_DIM = 64
DIM = 64
EMBED_DIM = 64
TOPK = 20
HID = 16


def _relu(x):
    return jnp.maximum(x, 0.0)


def _conv2d(x, W, b, stride):
    out = jax.lax.conv_general_dilated(x, W, (stride, stride), 'VALID', dimension_numbers=('NCHW', 'OIHW', 'NCHW'))
    return out + b[None, :, None, None]


def _maxpool2(x):
    return jax.lax.reduce_window(x, -jnp.inf, jax.lax.max, (1, 1, 2, 2), (1, 1, 2, 2), 'VALID')


def _bn2d(x, g, b, eps=1e-5):
    m = jnp.mean(x, axis=0)
    v = jnp.var(x, axis=0)
    return (x - m) / jnp.sqrt(v + eps) * g + b


def _bn3d(x, g, b, eps=1e-5):
    m = jnp.mean(x, axis=(0, 2), keepdims=True)
    v = jnp.var(x, axis=(0, 2), keepdims=True)
    return (x - m) / jnp.sqrt(v + eps) * g[None, :, None] + b[None, :, None]


def setup_inputs(seed: int = 0):
    key = jax.random.key(seed)
    ks = jax.random.split(key, 16)
    inp = {}
    inp['data'] = jax.random.normal(ks[0], (BATCH, NODE_NUM, INPUT_DIM), dtype=jnp.float32)
    inp['PI'] = jax.random.uniform(ks[1], (BATCH, 32, 32), dtype=jnp.float32)
    inp['org_edge_index'] = jax.random.randint(ks[2], (2, 20000), 0, NODE_NUM)
    inp['embedding'] = jax.random.normal(ks[3], (NODE_NUM, EMBED_DIM), dtype=jnp.float32) * 0.1
    inp['lin_W'] = jax.random.normal(ks[4], (INPUT_DIM, DIM), dtype=jnp.float32) * 0.05
    inp['att_i'] = jax.random.normal(ks[5], (DIM,), dtype=jnp.float32) * 0.1
    inp['att_j'] = jax.random.normal(ks[6], (DIM,), dtype=jnp.float32) * 0.1
    inp['att_em_i'] = jax.random.normal(ks[7], (EMBED_DIM,), dtype=jnp.float32) * 0.1
    inp['att_em_j'] = jax.random.normal(ks[8], (EMBED_DIM,), dtype=jnp.float32) * 0.1
    inp['gl_bias'] = jnp.zeros((DIM,), dtype=jnp.float32)
    inp['bn1_g'] = jnp.ones((DIM,), dtype=jnp.float32)
    inp['bn1_b'] = jnp.zeros((DIM,), dtype=jnp.float32)
    inp['conv1_W'] = jax.random.normal(ks[9], (HID, 1, 2, 2), dtype=jnp.float32) * 0.2
    inp['conv1_b'] = jnp.zeros((HID,), dtype=jnp.float32)
    inp['conv2_W'] = jax.random.normal(ks[10], (DIM, HID, 2, 2), dtype=jnp.float32) * 0.1
    inp['conv2_b'] = jnp.zeros((DIM,), dtype=jnp.float32)
    inp['bn_out_g'] = jnp.ones((DIM,), dtype=jnp.float32)
    inp['bn_out_b'] = jnp.zeros((DIM,), dtype=jnp.float32)
    inp['out_W'] = jax.random.normal(ks[11], (DIM, 1), dtype=jnp.float32) * 0.1
    inp['out_b'] = jnp.zeros((1,), dtype=jnp.float32)
    return inp


def reference(data, PI, org_edge_index, embedding, lin_W, att_i, att_j, att_em_i, att_em_j, gl_bias, bn1_g, bn1_b, conv1_W, conv1_b, conv2_W, conv2_b, bn_out_g, bn_out_b, out_W, out_b):
    batch, node_num, feat = data.shape
    bn_total = batch * node_num
    x = data.reshape(bn_total, feat)
    # learned graph: topk cosine similarity over DETACHED embeddings (as in torch)
    weights = jax.lax.stop_gradient(embedding)
    norms = jnp.linalg.norm(weights, axis=-1)
    cos = (weights @ weights.T) / (norms[:, None] * norms[None, :])
    _, topk_idx = jax.lax.top_k(cos, TOPK)
    gated_j = topk_idx.reshape(-1)
    gated_i = jnp.repeat(jnp.arange(node_num), TOPK)
    offsets = (jnp.arange(batch) * node_num)[:, None]
    src = (gated_j[None, :] + offsets).reshape(-1)
    dst = (gated_i[None, :] + offsets).reshape(-1)
    # remove_self_loops then add_self_loops: mask topk self-edges, append fresh loops
    self_mask = src == dst
    loop = jnp.arange(bn_total)
    src = jnp.concatenate([src, loop])
    dst = jnp.concatenate([dst, loop])
    self_mask = jnp.concatenate([self_mask, jnp.zeros((bn_total,), dtype=bool)])
    emb_full = jnp.tile(embedding, (batch, 1))
    x_lin = x @ lin_W
    key_i = jnp.concatenate([x_lin[dst], emb_full[dst]], axis=-1)
    key_j = jnp.concatenate([x_lin[src], emb_full[src]], axis=-1)
    cat_att_i = jnp.concatenate([att_i, att_em_i])
    cat_att_j = jnp.concatenate([att_j, att_em_j])
    alpha = (key_i * cat_att_i).sum(-1) + (key_j * cat_att_j).sum(-1)
    alpha = jnp.where(alpha > 0, alpha, 0.2 * alpha)
    alpha = jnp.where(self_mask, -1e9, alpha)
    amax = jax.ops.segment_max(alpha, dst, num_segments=bn_total)
    a = jnp.exp(alpha - amax[dst])
    denom = jax.ops.segment_sum(a, dst, num_segments=bn_total)
    a = a / (denom[dst] + 1e-16)
    gout = jax.ops.segment_sum(x_lin[src] * a[:, None], dst, num_segments=bn_total) + gl_bias
    out_t = _bn2d(gout, bn1_g, bn1_b)
    out_t2 = out_t.reshape(node_num, batch, DIM)
    # CNN on persistence image
    p = PI[:, None, :, :]
    f = _relu(_conv2d(p, conv1_W, conv1_b, 2))
    f = _maxpool2(f)
    f = _relu(_conv2d(f, conv2_W, conv2_b, 2))
    f = _maxpool2(f)
    f = _maxpool2(f)
    out_PI = f.reshape(-1, DIM)
    out_PI = _bn2d(out_PI, bn1_g, bn1_b)
    new_out = (out_t2 * out_PI[None, :, :]).reshape(-1, DIM)
    gcn_out = _relu(new_out)
    x2 = gcn_out.reshape(batch, node_num, DIM)
    out2 = x2 * embedding[None, :, :]
    out2 = jnp.transpose(out2, (0, 2, 1))
    out2 = _relu(_bn3d(out2, bn_out_g, bn_out_b))
    out2 = jnp.transpose(out2, (0, 2, 1))
    out3 = out2 @ out_W + out_b
    return out3.reshape(-1, node_num)

if __name__ == "__main__":
    import jax
    _d = setup_inputs()
    print(jax.jit(kernel)(*tuple(_d.values())))

</pallas_src>

<mosaic_0001>
#map = affine_map<(d0, d1) -> (0)>
#map1 = affine_map<(d0, d1) -> (0, 0, 0)>
module attributes {stable_mosaic.version = 14 : i64} {
  func.func @_sc_body(%arg0: i32, %arg1: i32, %arg2: memref<2048000xf32, #tpu.memory_space<hbm>>, %arg3: memref<2x32x1000xf32, #tpu.memory_space<hbm>>, %arg4: memref<32000xi32, #tpu.memory_space<hbm>>, %arg5: memref<2048000xf32, #tpu.memory_space<hbm>>, %arg6: memref<64000xf32, #tpu.memory_space<vmem>>, %arg7: memref<1000xf32, #tpu.memory_space<vmem>>, %arg8: memref<1000xf32, #tpu.memory_space<vmem>>, %arg9: memref<32000xi32, #tpu.memory_space<vmem>>, %arg10: memref<8000xf32, #tpu.memory_space<vmem>>) attributes {dimension_semantics = [#tpu.dimension_semantics<core_parallel>, #tpu.dimension_semantics<subcore_parallel>], iteration_bounds = array<i64: 2, 16>, scalar_prefetch = 0 : i64, scratch_operands = 5 : i64, tpu.core_type = #tpu.core_type<sc_vector_subcore>, window_params = [{transform_indices = #map}, {transform_indices = #map1}, {transform_indices = #map}, {transform_indices = #map}]} {
    %mul3A = arith.constant 2 : i32
    %mul3A_0 = arith.muli %arg1, %mul3A : i32
    %add3A = arith.addi %mul3A_0, %arg0 : i32
    %mul3A_1 = arith.constant 64000 : i32
    %mul3A_2 = arith.muli %add3A, %mul3A_1 : i32
    "tpu.region"() ({
      %run_scoped3A_13 = tpu.sem_alloc : memref<!tpu.dma_semaphore, #tpu.memory_space<semaphore_mem>>
      %dma_start3A = tpu.memref_slice %arg2[%mul3A_2] : memref<2048000xf32, #tpu.memory_space<hbm>> -> memref<64000xf32, #tpu.memory_space<hbm>>
      %dma_start3A_14 = tpu.memref_slice %arg2[%mul3A_2] : memref<2048000xf32, #tpu.memory_space<hbm>> -> memref<64000xf32, #tpu.memory_space<hbm>>
      tpu.enqueue_dma source(%dma_start3A_14 : memref<64000xf32, #tpu.memory_space<hbm>>) target(%arg6 : memref<64000xf32, #tpu.memory_space<vmem>>) target_semaphore(%run_scoped3A_13 : memref<!tpu.dma_semaphore, #tpu.memory_space<semaphore_mem>>)
      %dma_wait3A = tpu.memref_slice %arg2[%mul3A_2] : memref<2048000xf32, #tpu.memory_space<hbm>> -> memref<64000xf32, #tpu.memory_space<hbm>>
      %dma_wait3A_15 = tpu.memref_slice %arg2[%mul3A_2] : memref<2048000xf32, #tpu.memory_space<hbm>> -> memref<64000xf32, #tpu.memory_space<hbm>>
      tpu.wait_dma2 semaphore(%run_scoped3A_13 : memref<!tpu.dma_semaphore, #tpu.memory_space<semaphore_mem>>) src(%dma_wait3A_15 : memref<64000xf32, #tpu.memory_space<hbm>>) dst(%arg6 : memref<64000xf32, #tpu.memory_space<vmem>>)
      tpu.yield
    }) : () -> ()
    %run_scoped3A = arith.constant 0 : i32
    "tpu.region"() ({
      %run_scoped3A_13 = tpu.sem_alloc : memref<!tpu.dma_semaphore, #tpu.memory_space<semaphore_mem>>
      %dma_start3A = arith.constant 0 : i32
      %dma_start3A_14 = tpu.memref_slice %arg3[%run_scoped3A, %add3A, %dma_start3A] : memref<2x32x1000xf32, #tpu.memory_space<hbm>> -> memref<1x1x1000xf32, #tpu.memory_space<hbm>>
      %dma_start3A_15 = tpu.memref_squeeze %dma_start3A_14 : memref<1x1x1000xf32, #tpu.memory_space<hbm>> -> memref<1000xf32, #tpu.memory_space<hbm>>
      %dma_start3A_16 = arith.constant 0 : i32
      %dma_start3A_17 = tpu.memref_slice %arg3[%run_scoped3A, %add3A, %dma_start3A_16] : memref<2x32x1000xf32, #tpu.memory_space<hbm>> -> memref<1x1x1000xf32, #tpu.memory_space<hbm>>
      %dma_start3A_18 = tpu.memref_squeeze %dma_start3A_17 : memref<1x1x1000xf32, #tpu.memory_space<hbm>> -> memref<1000xf32, #tpu.memory_space<hbm>>
      tpu.enqueue_dma source(%dma_start3A_18 : memref<1000xf32, #tpu.memory_space<hbm>>) target(%arg7 : memref<1000xf32, #tpu.memory_space<vmem>>) target_semaphore(%run_scoped3A_13 : memref<!tpu.dma_semaphore, #tpu.memory_space<semaphore_mem>>)
      %dma_wait3A = arith.constant 0 : i32
      %dma_wait3A_19 = tpu.memref_slice %arg3[%run_scoped3A, %add3A, %dma_wait3A] : memref<2x32x1000xf32, #tpu.memory_space<hbm>> -> memref<1x1x1000xf32, #tpu.memory_space<hbm>>
      %dma_wait3A_20 = tpu.memref_squeeze %dma_wait3A_19 : memref<1x1x1000xf32, #tpu.memory_space<hbm>> -> memref<1000xf32, #tpu.memory_space<hbm>>
      %dma_wait3A_21 = arith.constant 0 : i32
      %dma_wait3A_22 = tpu.memref_slice %arg3[%run_scoped3A, %add3A, %dma_wait3A_21] : memref<2x32x1000xf32, #tpu.memory_space<hbm>> -> memref<1x1x1000xf32, #tpu.memory_space<hbm>>
      %dma_wait3A_23 = tpu.memref_squeeze %dma_wait3A_22 : memref<1x1x1000xf32, #tpu.memory_space<hbm>> -> memref<1000xf32, #tpu.memory_space<hbm>>
      tpu.wait_dma2 semaphore(%run_scoped3A_13 : memref<!tpu.dma_semaphore, #tpu.memory_space<semaphore_mem>>) src(%dma_wait3A_23 : memref<1000xf32, #tpu.memory_space<hbm>>) dst(%arg7 : memref<1000xf32, #tpu.memory_space<vmem>>)
      tpu.yield
    }) : () -> ()
    %run_scoped3A_3 = arith.constant 1 : i32
    "tpu.region"() ({
      %run_scoped3A_13 = tpu.sem_alloc : memref<!tpu.dma_semaphore, #tpu.memory_space<semaphore_mem>>
      %dma_start3A = arith.constant 0 : i32
      %dma_start3A_14 = tpu.memref_slice %arg3[%run_scoped3A_3, %add3A, %dma_start3A] : memref<2x32x1000xf32, #tpu.memory_space<hbm>> -> memref<1x1x1000xf32, #tpu.memory_space<hbm>>
      %dma_start3A_15 = tpu.memref_squeeze %dma_start3A_14 : memref<1x1x1000xf32, #tpu.memory_space<hbm>> -> memref<1000xf32, #tpu.memory_space<hbm>>
      %dma_start3A_16 = arith.constant 0 : i32
      %dma_start3A_17 = tpu.memref_slice %arg3[%run_scoped3A_3, %add3A, %dma_start3A_16] : memref<2x32x1000xf32, #tpu.memory_space<hbm>> -> memref<1x1x1000xf32, #tpu.memory_space<hbm>>
      %dma_start3A_18 = tpu.memref_squeeze %dma_start3A_17 : memref<1x1x1000xf32, #tpu.memory_space<hbm>> -> memref<1000xf32, #tpu.memory_space<hbm>>
      tpu.enqueue_dma source(%dma_start3A_18 : memref<1000xf32, #tpu.memory_space<hbm>>) target(%arg8 : memref<1000xf32, #tpu.memory_space<vmem>>) target_semaphore(%run_scoped3A_13 : memref<!tpu.dma_semaphore, #tpu.memory_space<semaphore_mem>>)
      %dma_wait3A = arith.constant 0 : i32
      %dma_wait3A_19 = tpu.memref_slice %arg3[%run_scoped3A_3, %add3A, %dma_wait3A] : memref<2x32x1000xf32, #tpu.memory_space<hbm>> -> memref<1x1x1000xf32, #tpu.memory_space<hbm>>
      %dma_wait3A_20 = tpu.memref_squeeze %dma_wait3A_19 : memref<1x1x1000xf32, #tpu.memory_space<hbm>> -> memref<1000xf32, #tpu.memory_space<hbm>>
      %dma_wait3A_21 = arith.constant 0 : i32
      %dma_wait3A_22 = tpu.memref_slice %arg3[%run_scoped3A_3, %add3A, %dma_wait3A_21] : memref<2x32x1000xf32, #tpu.memory_space<hbm>> -> memref<1x1x1000xf32, #tpu.memory_space<hbm>>
      %dma_wait3A_23 = tpu.memref_squeeze %dma_wait3A_22 : memref<1x1x1000xf32, #tpu.memory_space<hbm>> -> memref<1000xf32, #tpu.memory_space<hbm>>
      tpu.wait_dma2 semaphore(%run_scoped3A_13 : memref<!tpu.dma_semaphore, #tpu.memory_space<semaphore_mem>>) src(%dma_wait3A_23 : memref<1000xf32, #tpu.memory_space<hbm>>) dst(%arg8 : memref<1000xf32, #tpu.memory_space<vmem>>)
      tpu.yield
    }) : () -> ()
    "tpu.region"() ({
      %run_scoped3A_13 = tpu.sem_alloc : memref<!tpu.dma_semaphore, #tpu.memory_space<semaphore_mem>>
      tpu.enqueue_dma source(%arg4 : memref<32000xi32, #tpu.memory_space<hbm>>) target(%arg9 : memref<32000xi32, #tpu.memory_space<vmem>>) target_semaphore(%run_scoped3A_13 : memref<!tpu.dma_semaphore, #tpu.memory_space<semaphore_mem>>)
      tpu.wait_dma2 semaphore(%run_scoped3A_13 : memref<!tpu.dma_semaphore, #tpu.memory_space<semaphore_mem>>) src(%arg4 : memref<32000xi32, #tpu.memory_space<hbm>>) dst(%arg9 : memref<32000xi32, #tpu.memory_space<vmem>>)
      tpu.yield
    }) : () -> ()
    %iota3A = tpu.iota {dimensions = array<i32: 0>} : vector<16xi32>
    %add3A_4 = arith.constant 16 : i32
    %add3A_5 = vector.broadcast %add3A_4 : i32 to vector<16xi32>
    %add3A_6 = arith.addi %iota3A, %add3A_5 : vector<16xi32>
    %scan3A = arith.constant 0 : i32
    %scan3A_7 = arith.constant 0 : i32
    %scan3A_8 = arith.constant 8 : i32
    %scan3A_9 = arith.addi %scan3A_7, %scan3A_8 : i32
    %scan3A_10 = arith.constant 1 : i32
    %scan3A_11 = scf.for %scan3A_13 = %scan3A_7 to %scan3A_9 step %scan3A_10 iter_args(%scan3A_14 = %scan3A) -> (i32)  : i32 {
      %scan3A_15 = arith.constant 0 : i32
      %scan3A_16 = arith.constant 125 : i32
      %scan3A_17 = arith.addi %scan3A_15, %scan3A_16 : i32
      %scan3A_18 = arith.constant 1 : i32
      scf.for %scan3A_26 = %scan3A_15 to %scan3A_17 step %scan3A_18  : i32 {
        %mul3A_27 = arith.constant 125 : i32
        %mul3A_28 = arith.muli %scan3A_13, %mul3A_27 : i32
        %add3A_29 = arith.addi %mul3A_28, %scan3A_26 : i32
        %broadcast_in_dim3A = vector.broadcast %add3A_29 : i32 to vector<16xi32>
        %mul3A_30 = arith.constant 32 : i32
        %mul3A_31 = arith.muli %add3A_29, %mul3A_30 : i32
        %get3A = arith.index_cast %mul3A_31 : i32 to index
        %get3A_32 = tpu.vector_load %arg9[%get3A] {strides = array<i32>} : memref<32000xi32, #tpu.memory_space<vmem>>, vector<16xi32>,
        %mul3A_33 = arith.constant 32 : i32
        %mul3A_34 = arith.muli %add3A_29, %mul3A_33 : i32
        %add3A_35 = arith.constant 16 : i32
        %add3A_36 = arith.addi %mul3A_34, %add3A_35 : i32
        %get3A_37 = arith.index_cast %add3A_36 : i32 to index
        %get3A_38 = tpu.vector_load %arg9[%get3A_37] {strides = array<i32>} : memref<32000xi32, #tpu.memory_space<vmem>>, vector<16xi32>,
        %gather3A = tpu.vector_load_idx %arg7[%broadcast_in_dim3A] : memref<1000xf32, #tpu.memory_space<vmem>>[vector<16xi32>], vector<16xf32>,
        %gather3A_39 = tpu.vector_load_idx %arg8[%get3A_32] : memref<1000xf32, #tpu.memory_space<vmem>>[vector<16xi32>], vector<16xf32>,
        %gather3A_40 = tpu.vector_load_idx %arg8[%get3A_38] : memref<1000xf32, #tpu.memory_space<vmem>>[vector<16xi32>], vector<16xf32>,
        %add3A_41 = arith.addf %gather3A, %gather3A_39 : vector<16xf32>
        %gt3A = arith.constant 0.000000e+00 : f32
        %gt3A_42 = vector.broadcast %gt3A : f32 to vector<16xf32>
        %gt3A_43 = arith.cmpf ogt, %add3A_41, %gt3A_42 : vector<16xf32>
        %mul3A_44 = arith.constant 2.000000e-01 : f32
        %mul3A_45 = vector.broadcast %mul3A_44 : f32 to vector<16xf32>
        %mul3A_46 = arith.mulf %mul3A_45, %add3A_41 : vector<16xf32>
        %select_n3A = arith.select %gt3A_43, %add3A_41, %mul3A_46 : vector<16xi1>, vector<16xf32>
        %eq3A = arith.cmpi eq, %get3A_32, %broadcast_in_dim3A : vector<16xi32>
        %jit3A = arith.constant -1.000000e+09 : f32
        %broadcast_in_dim3A_47 = vector.broadcast %jit3A : f32 to vector<16xf32>
        %select_n3A_48 = arith.select %eq3A, %broadcast_in_dim3A_47, %select_n3A : vector<16xi1>, vector<16xf32>
        %add3A_49 = arith.addf %gather3A, %gather3A_40 : vector<16xf32>
        %gt3A_50 = arith.constant 0.000000e+00 : f32
        %gt3A_51 = vector.broadcast %gt3A_50 : f32 to vector<16xf32>
        %gt3A_52 = arith.cmpf ogt, %add3A_49, %gt3A_51 : vector<16xf32>
        %mul3A_53 = arith.constant 2.000000e-01 : f32
        %mul3A_54 = vector.broadcast %mul3A_53 : f32 to vector<16xf32>
        %mul3A_55 = arith.mulf %mul3A_54, %add3A_49 : vector<16xf32>
        %select_n3A_56 = arith.select %gt3A_52, %add3A_49, %mul3A_55 : vector<16xi1>, vector<16xf32>
        %eq3A_57 = arith.cmpi eq, %get3A_38, %broadcast_in_dim3A : vector<16xi32>
        %lt3A = arith.constant 20 : i32
        %lt3A_58 = vector.broadcast %lt3A : i32 to vector<16xi32>
        %lt3A_59 = arith.cmpi slt, %add3A_6, %lt3A_58 : vector<16xi32>
        %and3A = arith.andi %eq3A_57, %lt3A_59 : vector<16xi1>
        %gt3A_60 = arith.constant 20 : i32
        %gt3A_61 = vector.broadcast %gt3A_60 : i32 to vector<16xi32>
        %gt3A_62 = arith.cmpi sgt, %add3A_6, %gt3A_61 : vector<16xi32>
        %or3A = arith.ori %and3A, %gt3A_62 : vector<16xi1>
        %jit3A_63 = arith.constant -1.000000e+09 : f32
        %broadcast_in_dim3A_64 = vector.broadcast %jit3A_63 : f32 to vector<16xf32>
        %select_n3A_65 = arith.select %or3A, %broadcast_in_dim3A_64, %select_n3A_56 : vector<16xi1>, vector<16xf32>
        %reduce_max3A = arith.constant true
        %reduce_max3A_66 = vector.broadcast %reduce_max3A : i1 to vector<16xi1>
        %reduce_max3A_67 = tpu.scan <max>, %select_n3A_48 masked %reduce_max3A_66 : vector<16xf32>, vector<16xi1> -> vector<16xf32>
        %reduce_max3A_68 = vector.extract %reduce_max3A_67[15] : f32 from vector<16xf32>
        %reduce_max3A_69 = arith.constant true
        %reduce_max3A_70 = vector.broadcast %reduce_max3A_69 : i1 to vector<16xi1>
        %reduce_max3A_71 = tpu.scan <max>, %select_n3A_65 masked %reduce_max3A_70 : vector<16xf32>, vector<16xi1> -> vector<16xf32>
        %reduce_max3A_72 = vector.extract %reduce_max3A_71[15] : f32 from vector<16xf32>
        %max3A = arith.maximumf %reduce_max3A_68, %reduce_max3A_72 : f32
        %sub3A = vector.broadcast %max3A : f32 to vector<16xf32>
        %sub3A_73 = arith.subf %select_n3A_48, %sub3A : vector<16xf32>
        %exp3A = math.exp %sub3A_73 : vector<16xf32>
        %sub3A_74 = vector.broadcast %max3A : f32 to vector<16xf32>
        %sub3A_75 = arith.subf %select_n3A_65, %sub3A_74 : vector<16xf32>
        %exp3A_76 = math.exp %sub3A_75 : vector<16xf32>
        %reduce_sum3A = arith.constant true
        %reduce_sum3A_77 = vector.broadcast %reduce_sum3A : i1 to vector<16xi1>
        %reduce_sum3A_78 = tpu.scan <sum>, %exp3A masked %reduce_sum3A_77 : vector<16xf32>, vector<16xi1> -> vector<16xf32>
        %reduce_sum3A_79 = vector.extract %reduce_sum3A_78[15] : f32 from vector<16xf32>
        %reduce_sum3A_80 = arith.constant true
        %reduce_sum3A_81 = vector.broadcast %reduce_sum3A_80 : i1 to vector<16xi1>
        %reduce_sum3A_82 = tpu.scan <sum>, %exp3A_76 masked %reduce_sum3A_81 : vector<16xf32>, vector<16xi1> -> vector<16xf32>
        %reduce_sum3A_83 = vector.extract %reduce_sum3A_82[15] : f32 from vector<16xf32>
        %add3A_84 = arith.addf %reduce_sum3A_79, %reduce_sum3A_83 : f32
        %add3A_85 = arith.constant 1.000000e-16 : f32
        %add3A_86 = arith.addf %add3A_84, %add3A_85 : f32
        %div3A = vector.broadcast %add3A_86 : f32 to vector<16xf32>
        %div3A_87 = arith.divf %exp3A, %div3A : vector<16xf32>
        %div3A_88 = vector.broadcast %add3A_86 : f32 to vector<16xf32>
        %div3A_89 = arith.divf %exp3A_76, %div3A_88 : vector<16xf32>
        %broadcast_in_dim3A_90 = arith.constant 0.000000e+00 : f32
        %broadcast_in_dim3A_91 = vector.broadcast %broadcast_in_dim3A_90 : f32 to vector<16xf32>
        %broadcast_in_dim3A_92 = arith.constant 0.000000e+00 : f32
        %broadcast_in_dim3A_93 = vector.broadcast %broadcast_in_dim3A_92 : f32 to vector<16xf32>
        %broadcast_in_dim3A_94 = arith.constant 0.000000e+00 : f32
        %broadcast_in_dim3A_95 = vector.broadcast %broadcast_in_dim3A_94 : f32 to vector<16xf32>
        %broadcast_in_dim3A_96 = arith.constant 0.000000e+00 : f32
        %broadcast_in_dim3A_97 = vector.broadcast %broadcast_in_dim3A_96 : f32 to vector<16xf32>
        %slice3A = vector.extract_strided_slice %get3A_32 {offsets = [0], sizes = [1], strides = [1]} : vector<16xi32> to vector<1xi32>
        %squeeze3A = vector.extract %slice3A[0] : i32 from vector<1xi32>
        %slice3A_98 = vector.extract_strided_slice %div3A_87 {offsets = [0], sizes = [1], strides = [1]} : vector<16xf32> to vector<1xf32>
        %squeeze3A_99 = vector.extract %slice3A_98[0] : f32 from vector<1xf32>
        %mul3A_100 = arith.constant 64 : i32
        %mul3A_101 = arith.muli %squeeze3A, %mul3A_100 : i32
        %add3A_102 = arith.constant 0 : i32
        %add3A_103 = arith.addi %mul3A_101, %add3A_102 : i32
        %get3A_104 = arith.index_cast %add3A_103 : i32 to index
        %get3A_105 = tpu.vector_load %arg6[%get3A_104] {strides = array<i32>} : memref<64000xf32, #tpu.memory_space<vmem>>, vector<16xf32>,
        %mul3A_106 = vector.broadcast %squeeze3A_99 : f32 to vector<16xf32>
        %mul3A_107 = arith.mulf %mul3A_106, %get3A_105 : vector<16xf32>
        %add3A_108 = arith.addf %broadcast_in_dim3A_91, %mul3A_107 : vector<16xf32>
        %add3A_109 = arith.constant 16 : i32
        %add3A_110 = arith.addi %mul3A_101, %add3A_109 : i32
        %get3A_111 = arith.index_cast %add3A_110 : i32 to index
        %get3A_112 = tpu.vector_load %arg6[%get3A_111] {strides = array<i32>} : memref<64000xf32, #tpu.memory_space<vmem>>, vector<16xf32>,
        %mul3A_113 = vector.broadcast %squeeze3A_99 : f32 to vector<16xf32>
        %mul3A_114 = arith.mulf %mul3A_113, %get3A_112 : vector<16xf32>
        %add3A_115 = arith.addf %broadcast_in_dim3A_93, %mul3A_114 : vector<16xf32>
        %add3A_116 = arith.constant 32 : i32
        %add3A_117 = arith.addi %mul3A_101, %add3A_116 : i32
        %get3A_118 = arith.index_cast %add3A_117 : i32 to index
        %get3A_119 = tpu.vector_load %arg6[%get3A_118] {strides = array<i32>} : memref<64000xf32, #tpu.memory_space<vmem>>, vector<16xf32>,
        %mul3A_120 = vector.broadcast %squeeze3A_99 : f32 to vector<16xf32>
        %mul3A_121 = arith.mulf %mul3A_120, %get3A_119 : vector<16xf32>
        %add3A_122 = arith.addf %broadcast_in_dim3A_95, %mul3A_121 : vector<16xf32>
        %add3A_123 = arith.constant 48 : i32
        %add3A_124 = arith.addi %mul3A_101, %add3A_123 : i32
        %get3A_125 = arith.index_cast %add3A_124 : i32 to index
        %get3A_126 = tpu.vector_load %arg6[%get3A_125] {strides = array<i32>} : memref<64000xf32, #tpu.memory_space<vmem>>, vector<16xf32>,
        %mul3A_127 = vector.broadcast %squeeze3A_99 : f32 to vector<16xf32>
        %mul3A_128 = arith.mulf %mul3A_127, %get3A_126 : vector<16xf32>
        %add3A_129 = arith.addf %broadcast_in_dim3A_97, %mul3A_128 : vector<16xf32>
        %slice3A_130 = vector.extract_strided_slice %get3A_32 {offsets = [1], sizes = [1], strides = [1]} : vector<16xi32> to vector<1xi32>
        %squeeze3A_131 = vector.extract %slice3A_130[0] : i32 from vector<1xi32>
        %slice3A_132 = vector.extract_strided_slice %div3A_87 {offsets = [1], sizes = [1], strides = [1]} : vector<16xf32> to vector<1xf32>
        %squeeze3A_133 = vector.extract %slice3A_132[0] : f32 from vector<1xf32>
        %mul3A_134 = arith.constant 64 : i32
        %mul3A_135 = arith.muli %squeeze3A_131, %mul3A_134 : i32
        %add3A_136 = arith.constant 0 : i32
        %add3A_137 = arith.addi %mul3A_135, %add3A_136 : i32
        %get3A_138 = arith.index_cast %add3A_137 : i32 to index
        %get3A_139 = tpu.vector_load %arg6[%get3A_138] {strides = array<i32>} : memref<64000xf32, #tpu.memory_space<vmem>>, vector<16xf32>,
        %mul3A_140 = vector.broadcast %squeeze3A_133 : f32 to vector<16xf32>
        %mul3A_141 = arith.mulf %mul3A_140, %get3A_139 : vector<16xf32>
        %add3A_142 = arith.addf %add3A_108, %mul3A_141 : vector<16xf32>
        %add3A_143 = arith.constant 16 : i32
        %add3A_144 = arith.addi %mul3A_135, %add3A_143 : i32
        %get3A_145 = arith.index_cast %add3A_144 : i32 to index
        %get3A_146 = tpu.vector_load %arg6[%get3A_145] {strides = array<i32>} : memref<64000xf32, #tpu.memory_space<vmem>>, vector<16xf32>,
        %mul3A_147 = vector.broadcast %squeeze3A_133 : f32 to vector<16xf32>
        %mul3A_148 = arith.mulf %mul3A_147, %get3A_146 : vector<16xf32>
        %add3A_149 = arith.addf %add3A_115, %mul3A_148 : vector<16xf32>
        %add3A_150 = arith.constant 32 : i32
        %add3A_151 = arith.addi %mul3A_135, %add3A_150 : i32
        %get3A_152 = arith.index_cast %add3A_151 : i32 to index
        %get3A_153 = tpu.vector_load %arg6[%get3A_152] {strides = array<i32>} : memref<64000xf32, #tpu.memory_space<vmem>>, vector<16xf32>,
        %mul3A_154 = vector.broadcast %squeeze3A_133 : f32 to vector<16xf32>
        %mul3A_155 = arith.mulf %mul3A_154, %get3A_153 : vector<16xf32>
        %add3A_156 = arith.addf %add3A_122, %mul3A_155 : vector<16xf32>
        %add3A_157 = arith.constant 48 : i32
        %add3A_158 = arith.addi %mul3A_135, %add3A_157 : i32
        %get3A_159 = arith.index_cast %add3A_158 : i32 to index
        %get3A_160 = tpu.vector_load %arg6[%get3A_159] {strides = array<i32>} : memref<64000xf32, #tpu.memory_space<vmem>>, vector<16xf32>,
        %mul3A_161 = vector.broadcast %squeeze3A_133 : f32 to vector<16xf32>
        %mul3A_162 = arith.mulf %mul3A_161, %get3A_160 : vector<16xf32>
        %add3A_163 = arith.addf %add3A_129, %mul3A_162 : vector<16xf32>
        %slice3A_164 = vector.extract_strided_slice %get3A_32 {offsets = [2], sizes = [1], strides = [1]} : vector<16xi32> to vector<1xi32>
        %squeeze3A_165 = vector.extract %slice3A_164[0] : i32 from vector<1xi32>
        %slice3A_166 = vector.extract_strided_slice %div3A_87 {offsets = [2], sizes = [1], strides = [1]} : vector<16xf32> to vector<1xf32>
        %squeeze3A_167 = vector.extract %slice3A_166[0] : f32 from vector<1xf32>
        %mul3A_168 = arith.constant 64 : i32
        %mul3A_169 = arith.muli %squeeze3A_165, %mul3A_168 : i32
        %add3A_170 = arith.constant 0 : i32
        %add3A_171 = arith.addi %mul3A_169, %add3A_170 : i32
        %get3A_172 = arith.index_cast %add3A_171 : i32 to index
        %get3A_173 = tpu.vector_load %arg6[%get3A_172] {strides = array<i32>} : memref<64000xf32, #tpu.memory_space<vmem>>, vector<16xf32>,
        %mul3A_174 = vector.broadcast %squeeze3A_167 : f32 to vector<16xf32>
        %mul3A_175 = arith.mulf %mul3A_174, %get3A_173 : vector<16xf32>
        %add3A_176 = arith.addf %add3A_142, %mul3A_175 : vector<16xf32>
        %add3A_177 = arith.constant 16 : i32
        %add3A_178 = arith.addi %mul3A_169, %add3A_177 : i32
        %get3A_179 = arith.index_cast %add3A_178 : i32 to index
        %get3A_180 = tpu.vector_load %arg6[%get3A_179] {strides = array<i32>} : memref<64000xf32, #tpu.memory_space<vmem>>, vector<16xf32>,
        %mul3A_181 = vector.broadcast %squeeze3A_167 : f32 to vector<16xf32>
        %mul3A_182 = arith.mulf %mul3A_181, %get3A_180 : vector<16xf32>
        %add3A_183 = arith.addf %add3A_149, %mul3A_182 : vector<16xf32>
        %add3A_184 = arith.constant 32 : i32
        %add3A_185 = arith.addi %mul3A_169, %add3A_184 : i32
        %get3A_186 = arith.index_cast %add3A_185 : i32 to index
        %get3A_187 = tpu.vector_load %arg6[%get3A_186] {strides = array<i32>} : memref<64000xf32, #tpu.memory_space<vmem>>, vector<16xf32>,
        %mul3A_188 = vector.broadcast %squeeze3A_167 : f32 to vector<16xf32>
        %mul3A_189 = arith.mulf %mul3A_188, %get3A_187 : vector<16xf32>
        %add3A_190 = arith.addf %add3A_156, %mul3A_189 : vector<16xf32>
        %add3A_191 = arith.constant 48 : i32
        %add3A_192 = arith.addi %mul3A_169, %add3A_191 : i32
        %get3A_193 = arith.index_cast %add3A_192 : i32 to index
        %get3A_194 = tpu.vector_load %arg6[%get3A_193] {strides = array<i32>} : memref<64000xf32, #tpu.memory_space<vmem>>, vector<16xf32>,
        %mul3A_195 = vector.broadcast %squeeze3A_167 : f32 to vector<16xf32>
        %mul3A_196 = arith.mulf %mul3A_195, %get3A_194 : vector<16xf32>
        %add3A_197 = arith.addf %add3A_163, %mul3A_196 : vector<16xf32>
        %slice3A_198 = vector.extract_strided_slice %get3A_32 {offsets = [3], sizes = [1], strides = [1]} : vector<16xi32> to vector<1xi32>
        %squeeze3A_199 = vector.extract %slice3A_198[0] : i32 from vector<1xi32>
        %slice3A_200 = vector.extract_strided_slice %div3A_87 {offsets = [3], sizes = [1], strides = [1]} : vector<16xf32> to vector<1xf32>
        %squeeze3A_201 = vector.extract %slice3A_200[0] : f32 from vector<1xf32>
        %mul3A_202 = arith.constant 64 : i32
        %mul3A_203 = arith.muli %squeeze3A_199, %mul3A_202 : i32
        %add3A_204 = arith.constant 0 : i32
        %add3A_205 = arith.addi %mul3A_203, %add3A_204 : i32
        %get3A_206 = arith.index_cast %add3A_205 : i32 to index
        %get3A_207 = tpu.vector_load %arg6[%get3A_206] {strides = array<i32>} : memref<64000xf32, #tpu.memory_space<vmem>>, vector<16xf32>,
        %mul3A_208 = vector.broadcast %squeeze3A_201 : f32 to vector<16xf32>
        %mul3A_209 = arith.mulf %mul3A_208, %get3A_207 : vector<16xf32>
        %add3A_210 = arith.addf %add3A_176, %mul3A_209 : vector<16xf32>
        %add3A_211 = arith.constant 16 : i32
        %add3A_212 = arith.addi %mul3A_203, %add3A_211 : i32
        %get3A_213 = arith.index_cast %add3A_212 : i32 to index
        %get3A_214 = tpu.vector_load %arg6[%get3A_213] {strides = array<i32>} : memref<64000xf32, #tpu.memory_space<vmem>>, vector<16xf32>,
        %mul3A_215 = vector.broadcast %squeeze3A_201 : f32 to vector<16xf32>
        %mul3A_216 = arith.mulf %mul3A_215, %get3A_214 : vector<16xf32>
        %add3A_217 = arith.addf %add3A_183, %mul3A_216 : vector<16xf32>
        %add3A_218 = arith.constant 32 : i32
        %add3A_219 = arith.addi %mul3A_203, %add3A_218 : i32
        %get3A_220 = arith.index_cast %add3A_219 : i32 to index
        %get3A_221 = tpu.vector_load %arg6[%get3A_220] {strides = array<i32>} : memref<64000xf32, #tpu.memory_space<vmem>>, vector<16xf32>,
        %mul3A_222 = vector.broadcast %squeeze3A_201 : f32 to vector<16xf32>
        %mul3A_223 = arith.mulf %mul3A_222, %get3A_221 : vector<16xf32>
        %add3A_224 = arith.addf %add3A_190, %mul3A_223 : vector<16xf32>
        %add3A_225 = arith.constant 48 : i32
        %add3A_226 = arith.addi %mul3A_203, %add3A_225 : i32
        %get3A_227 = arith.index_cast %add3A_226 : i32 to index
        %get3A_228 = tpu.vector_load %arg6[%get3A_227] {strides = array<i32>} : memref<64000xf32, #tpu.memory_space<vmem>>, vector<16xf32>,
        %mul3A_229 = vector.broadcast %squeeze3A_201 : f32 to vector<16xf32>
        %mul3A_230 = arith.mulf %mul3A_229, %get3A_228 : vector<16xf32>
        %add3A_231 = arith.addf %add3A_197, %mul3A_230 : vector<16xf32>
        %slice3A_232 = vector.extract_strided_slice %get3A_32 {offsets = [4], sizes = [1], strides = [1]} : vector<16xi32> to vector<1xi32>
        %squeeze3A_233 = vector.extract %slice3A_232[0] : i32 from vector<1xi32>
        %slice3A_234 = vector.extract_strided_slice %div3A_87 {offsets = [4], sizes = [1], strides = [1]} : vector<16xf32> to vector<1xf32>
        %squeeze3A_235 = vector.extract %slice3A_234[0] : f32 from vector<1xf32>
        %mul3A_236 = arith.constant 64 : i32
        %mul3A_237 = arith.muli %squeeze3A_233, %mul3A_236 : i32
        %add3A_238 = arith.constant 0 : i32
        %add3A_239 = arith.addi %mul3A_237, %add3A_238 : i32
        %get3A_240 = arith.index_cast %add3A_239 : i32 to index
        %get3A_241 = tpu.vector_load %arg6[%get3A_240] {strides = array<i32>} : memref<64000xf32, #tpu.memory_space<vmem>>, vector<16xf32>,
        %mul3A_242 = vector.broadcast %squeeze3A_235 : f32 to vector<16xf32>
        %mul3A_243 = arith.mulf %mul3A_242, %get3A_241 : vector<16xf32>
        %add3A_244 = arith.addf %add3A_210, %mul3A_243 : vector<16xf32>
        %add3A_245 = arith.constant 16 : i32
        %add3A_246 = arith.addi %mul3A_237, %add3A_245 : i32
        %get3A_247 = arith.index_cast %add3A_246 : i32 to index
        %get3A_248 = tpu.vector_load %arg6[%get3A_247] {strides = array<i32>} : memref<64000xf32, #tpu.memory_space<vmem>>, vector<16xf32>,
        %mul3A_249 = vector.broadcast %squeeze3A_235 : f32 to vector<16xf32>
        %mul3A_250 = arith.mulf %mul3A_249, %get3A_248 : vector<16xf32>
        %add3A_251 = arith.addf %add3A_217, %mul3A_250 : vector<16xf32>
        %add3A_252 = arith.constant 32 : i32
        %add3A_253 = arith.addi %mul3A_237, %add3A_252 : i32
        %get3A_254 = arith.index_cast %add3A_253 : i32 to index
        %get3A_255 = tpu.vector_load %arg6[%get3A_254] {strides = array<i32>} : memref<64000xf32, #tpu.memory_space<vmem>>, vector<16xf32>,
        %mul3A_256 = vector.broadcast %squeeze3A_235 : f32 to vector<16xf32>
        %mul3A_257 = arith.mulf %mul3A_256, %get3A_255 : vector<16xf32>
        %add3A_258 = arith.addf %add3A_224, %mul3A_257 : vector<16xf32>
        %add3A_259 = arith.constant 48 : i32
        %add3A_260 = arith.addi %mul3A_237, %add3A_259 : i32
        %get3A_261 = arith.index_cast %add3A_260 : i32 to index
        %get3A_262 = tpu.vector_load %arg6[%get3A_261] {strides = array<i32>} : memref<64000xf32, #tpu.memory_space<vmem>>, vector<16xf32>,
        %mul3A_263 = vector.broadcast %squeeze3A_235 : f32 to vector<16xf32>
        %mul3A_264 = arith.mulf %mul3A_263, %get3A_262 : vector<16xf32>
        %add3A_265 = arith.addf %add3A_231, %mul3A_264 : vector<16xf32>
        %slice3A_266 = vector.extract_strided_slice %get3A_32 {offsets = [5], sizes = [1], strides = [1]} : vector<16xi32> to vector<1xi32>
        %squeeze3A_267 = vector.extract %slice3A_266[0] : i32 from vector<1xi32>
        %slice3A_268 = vector.extract_strided_slice %div3A_87 {offsets = [5], sizes = [1], strides = [1]} : vector<16xf32> to vector<1xf32>
        %squeeze3A_269 = vector.extract %slice3A_268[0] : f32 from vector<1xf32>
        %mul3A_270 = arith.constant 64 : i32
        %mul3A_271 = arith.muli %squeeze3A_267, %mul3A_270 : i32
        %add3A_272 = arith.constant 0 : i32
        %add3A_273 = arith.addi %mul3A_271, %add3A_272 : i32
        %get3A_274 = arith.index_cast %add3A_273 : i32 to index
        %get3A_275 = tpu.vector_load %arg6[%get3A_274] {strides = array<i32>} : memref<64000xf32, #tpu.memory_space<vmem>>, vector<16xf32>,
        %mul3A_276 = vector.broadcast %squeeze3A_269 : f32 to vector<16xf32>
        %mul3A_277 = arith.mulf %mul3A_276, %get3A_275 : vector<16xf32>
        %add3A_278 = arith.addf %add3A_244, %mul3A_277 : vector<16xf32>
        %add3A_279 = arith.constant 16 : i32
        %add3A_280 = arith.addi %mul3A_271, %add3A_279 : i32
        %get3A_281 = arith.index_cast %add3A_280 : i32 to index
        %get3A_282 = tpu.vector_load %arg6[%get3A_281] {strides = array<i32>} : memref<64000xf32, #tpu.memory_space<vmem>>, vector<16xf32>,
        %mul3A_283 = vector.broadcast %squeeze3A_269 : f32 to vector<16xf32>
        %mul3A_284 = arith.mulf %mul3A_283, %get3A_282 : vector<16xf32>
        %add3A_285 = arith.addf %add3A_251, %mul3A_284 : vector<16xf32>
        %add3A_286 = arith.constant 32 : i32
        %add3A_287 = arith.addi %mul3A_271, %add3A_286 : i32
        %get3A_288 = arith.index_cast %add3A_287 : i32 to index
        %get3A_289 = tpu.vector_load %arg6[%get3A_288] {strides = array<i32>} : memref<64000xf32, #tpu.memory_space<vmem>>, vector<16xf32>,
        %mul3A_290 = vector.broadcast %squeeze3A_269 : f32 to vector<16xf32>
        %mul3A_291 = arith.mulf %mul3A_290, %get3A_289 : vector<16xf32>
        %add3A_292 = arith.addf %add3A_258, %mul3A_291 : vector<16xf32>
        %add3A_293 = arith.constant 48 : i32
        %add3A_294 = arith.addi %mul3A_271, %add3A_293 : i32
        %get3A_295 = arith.index_cast %add3A_294 : i32 to index
        %get3A_296 = tpu.vector_load %arg6[%get3A_295] {strides = array<i32>} : memref<64000xf32, #tpu.memory_space<vmem>>, vector<16xf32>,
        %mul3A_297 = vector.broadcast %squeeze3A_269 : f32 to vector<16xf32>
        %mul3A_298 = arith.mulf %mul3A_297, %get3A_296 : vector<16xf32>
        %add3A_299 = arith.addf %add3A_265, %mul3A_298 : vector<16xf32>
        %slice3A_300 = vector.extract_strided_slice %get3A_32 {offsets = [6], sizes = [1], strides = [1]} : vector<16xi32> to vector<1xi32>
        %squeeze3A_301 = vector.extract %slice3A_300[0] : i32 from vector<1xi32>
        %slice3A_302 = vector.extract_strided_slice %div3A_87 {offsets = [6], sizes = [1], strides = [1]} : vector<16xf32> to vector<1xf32>
        %squeeze3A_303 = vector.extract %slice3A_302[0] : f32 from vector<1xf32>
        %mul3A_304 = arith.constant 64 : i32
        %mul3A_305 = arith.muli %squeeze3A_301, %mul3A_304 : i32
        %add3A_306 = arith.constant 0 : i32
        %add3A_307 = arith.addi %mul3A_305, %add3A_306 : i32
        %get3A_308 = arith.index_cast %add3A_307 : i32 to index
        %get3A_309 = tpu.vector_load %arg6[%get3A_308] {strides = array<i32>} : memref<64000xf32, #tpu.memory_space<vmem>>, vector<16xf32>,
        %mul3A_310 = vector.broadcast %squeeze3A_303 : f32 to vector<16xf32>
        %mul3A_311 = arith.mulf %mul3A_310, %get3A_309 : vector<16xf32>
        %add3A_312 = arith.addf %add3A_278, %mul3A_311 : vector<16xf32>
        %add3A_313 = arith.constant 16 : i32
        %add3A_314 = arith.addi %mul3A_305, %add3A_313 : i32
        %get3A_315 = arith.index_cast %add3A_314 : i32 to index
        %get3A_316 = tpu.vector_load %arg6[%get3A_315] {strides = array<i32>} : memref<64000xf32, #tpu.memory_space<vmem>>, vector<16xf32>,
        %mul3A_317 = vector.broadcast %squeeze3A_303 : f32 to vector<16xf32>
        %mul3A_318 = arith.mulf %mul3A_317, %get3A_316 : vector<16xf32>
        %add3A_319 = arith.addf %add3A_285, %mul3A_318 : vector<16xf32>
        %add3A_320 = arith.constant 32 : i32
        %add3A_321 = arith.addi %mul3A_305, %add3A_320 : i32
        %get3A_322 = arith.index_cast %add3A_321 : i32 to index
        %get3A_323 = tpu.vector_load %arg6[%get3A_322] {strides = array<i32>} : memref<64000xf32, #tpu.memory_space<vmem>>, vector<16xf32>,
        %mul3A_324 = vector.broadcast %squeeze3A_303 : f32 to vector<16xf32>
        %mul3A_325 = arith.mulf %mul3A_324, %get3A_323 : vector<16xf32>
        %add3A_326 = arith.addf %add3A_292, %mul3A_325 : vector<16xf32>
        %add3A_327 = arith.constant 48 : i32
        %add3A_328 = arith.addi %mul3A_305, %add3A_327 : i32
        %get3A_329 = arith.index_cast %add3A_328 : i32 to index
        %get3A_330 = tpu.vector_load %arg6[%get3A_329] {strides = array<i32>} : memref<64000xf32, #tpu.memory_space<vmem>>, vector<16xf32>,
        %mul3A_331 = vector.broadcast %squeeze3A_303 : f32 to vector<16xf32>
        %mul3A_332 = arith.mulf %mul3A_331, %get3A_330 : vector<16xf32>
        %add3A_333 = arith.addf %add3A_299, %mul3A_332 : vector<16xf32>
        %slice3A_334 = vector.extract_strided_slice %get3A_32 {offsets = [7], sizes = [1], strides = [1]} : vector<16xi32> to vector<1xi32>
        %squeeze3A_335 = vector.extract %slice3A_334[0] : i32 from vector<1xi32>
        %slice3A_336 = vector.extract_strided_slice %div3A_87 {offsets = [7], sizes = [1], strides = [1]} : vector<16xf32> to vector<1xf32>
        %squeeze3A_337 = vector.extract %slice3A_336[0] : f32 from vector<1xf32>
        %mul3A_338 = arith.constant 64 : i32
        %mul3A_339 = arith.muli %squeeze3A_335, %mul3A_338 : i32
        %add3A_340 = arith.constant 0 : i32
        %add3A_341 = arith.addi %mul3A_339, %add3A_340 : i32
        %get3A_342 = arith.index_cast %add3A_341 : i32 to index
        %get3A_343 = tpu.vector_load %arg6[%get3A_342] {strides = array<i32>} : memref<64000xf32, #tpu.memory_space<vmem>>, vector<16xf32>,
        %mul3A_344 = vector.broadcast %squeeze3A_337 : f32 to vector<16xf32>
        %mul3A_345 = arith.mulf %mul3A_344, %get3A_343 : vector<16xf32>
        %add3A_346 = arith.addf %add3A_312, %mul3A_345 : vector<16xf32>
        %add3A_347 = arith.constant 16 : i32
        %add3A_348 = arith.addi %mul3A_339, %add3A_347 : i32
        %get3A_349 = arith.index_cast %add3A_348 : i32 to index
        %get3A_350 = tpu.vector_load %arg6[%get3A_349] {strides = array<i32>} : memref<64000xf32, #tpu.memory_space<vmem>>, vector<16xf32>,
        %mul3A_351 = vector.broadcast %squeeze3A_337 : f32 to vector<16xf32>
        %mul3A_352 = arith.mulf %mul3A_351, %get3A_350 : vector<16xf32>
        %add3A_353 = arith.addf %add3A_319, %mul3A_352 : vector<16xf32>
        %add3A_354 = arith.constant 32 : i32
        %add3A_355 = arith.addi %mul3A_339, %add3A_354 : i32
        %get3A_356 = arith.index_cast %add3A_355 : i32 to index
        %get3A_357 = tpu.vector_load %arg6[%get3A_356] {strides = array<i32>} : memref<64000xf32, #tpu.memory_space<vmem>>, vector<16xf32>,
        %mul3A_358 = vector.broadcast %squeeze3A_337 : f32 to vector<16xf32>
        %mul3A_359 = arith.mulf %mul3A_358, %get3A_357 : vector<16xf32>
        %add3A_360 = arith.addf %add3A_326, %mul3A_359 : vector<16xf32>
        %add3A_361 = arith.constant 48 : i32
        %add3A_362 = arith.addi %mul3A_339, %add3A_361 : i32
        %get3A_363 = arith.index_cast %add3A_362 : i32 to index
        %get3A_364 = tpu.vector_load %arg6[%get3A_363] {strides = array<i32>} : memref<64000xf32, #tpu.memory_space<vmem>>, vector<16xf32>,
        %mul3A_365 = vector.broadcast %squeeze3A_337 : f32 to vector<16xf32>
        %mul3A_366 = arith.mulf %mul3A_365, %get3A_364 : vector<16xf32>
        %add3A_367 = arith.addf %add3A_333, %mul3A_366 : vector<16xf32>
        %slice3A_368 = vector.extract_strided_slice %get3A_32 {offsets = [8], sizes = [1], strides = [1]} : vector<16xi32> to vector<1xi32>
        %squeeze3A_369 = vector.extract %slice3A_368[0] : i32 from vector<1xi32>
        %slice3A_370 = vector.extract_strided_slice %div3A_87 {offsets = [8], sizes = [1], strides = [1]} : vector<16xf32> to vector<1xf32>
        %squeeze3A_371 = vector.extract %slice3A_370[0] : f32 from vector<1xf32>
        %mul3A_372 = arith.constant 64 : i32
        %mul3A_373 = arith.muli %squeeze3A_369, %mul3A_372 : i32
        %add3A_374 = arith.constant 0 : i32
        %add3A_375 = arith.addi %mul3A_373, %add3A_374 : i32
        %get3A_376 = arith.index_cast %add3A_375 : i32 to index
        %get3A_377 = tpu.vector_load %arg6[%get3A_376] {strides = array<i32>} : memref<64000xf32, #tpu.memory_space<vmem>>, vector<16xf32>,
        %mul3A_378 = vector.broadcast %squeeze3A_371 : f32 to vector<16xf32>
        %mul3A_379 = arith.mulf %mul3A_378, %get3A_377 : vector<16xf32>
        %add3A_380 = arith.addf %add3A_346, %mul3A_379 : vector<16xf32>
        %add3A_381 = arith.constant 16 : i32
        %add3A_382 = arith.addi %mul3A_373, %add3A_381 : i32
        %get3A_383 = arith.index_cast %add3A_382 : i32 to index
        %get3A_384 = tpu.vector_load %arg6[%get3A_383] {strides = array<i32>} : memref<64000xf32, #tpu.memory_space<vmem>>, vector<16xf32>,
        %mul3A_385 = vector.broadcast %squeeze3A_371 : f32 to vector<16xf32>
        %mul3A_386 = arith.mulf %mul3A_385, %get3A_384 : vector<16xf32>
        %add3A_387 = arith.addf %add3A_353, %mul3A_386 : vector<16xf32>
        %add3A_388 = arith.constant 32 : i32
        %add3A_389 = arith.addi %mul3A_373, %add3A_388 : i32
        %get3A_390 = arith.index_cast %add3A_389 : i32 to index
        %get3A_391 = tpu.vector_load %arg6[%get3A_390] {strides = array<i32>} : memref<64000xf32, #tpu.memory_space<vmem>>, vector<16xf32>,
        %mul3A_392 = vector.broadcast %squeeze3A_371 : f32 to vector<16xf32>
        %mul3A_393 = arith.mulf %mul3A_392, %get3A_391 : vector<16xf32>
        %add3A_394 = arith.addf %add3A_360, %mul3A_393 : vector<16xf32>
        %add3A_395 = arith.constant 48 : i32
        %add3A_396 = arith.addi %mul3A_373, %add3A_395 : i32
        %get3A_397 = arith.index_cast %add3A_396 : i32 to index
        %get3A_398 = tpu.vector_load %arg6[%get3A_397] {strides = array<i32>} : memref<64000xf32, #tpu.memory_space<vmem>>, vector<16xf32>,
        %mul3A_399 = vector.broadcast %squeeze3A_371 : f32 to vector<16xf32>
        %mul3A_400 = arith.mulf %mul3A_399, %get3A_398 : vector<16xf32>
        %add3A_401 = arith.addf %add3A_367, %mul3A_400 : vector<16xf32>
        %slice3A_402 = vector.extract_strided_slice %get3A_32 {offsets = [9], sizes = [1], strides = [1]} : vector<16xi32> to vector<1xi32>
        %squeeze3A_403 = vector.extract %slice3A_402[0] : i32 from vector<1xi32>
        %slice3A_404 = vector.extract_strided_slice %div3A_87 {offsets = [9], sizes = [1], strides = [1]} : vector<16xf32> to vector<1xf32>
        %squeeze3A_405 = vector.extract %slice3A_404[0] : f32 from vector<1xf32>
        %mul3A_406 = arith.constant 64 : i32
        %mul3A_407 = arith.muli %squeeze3A_403, %mul3A_406 : i32
        %add3A_408 = arith.constant 0 : i32
        %add3A_409 = arith.addi %mul3A_407, %add3A_408 : i32
        %get3A_410 = arith.index_cast %add3A_409 : i32 to index
        %get3A_411 = tpu.vector_load %arg6[%get3A_410] {strides = array<i32>} : memref<64000xf32, #tpu.memory_space<vmem>>, vector<16xf32>,
        %mul3A_412 = vector.broadcast %squeeze3A_405 : f32 to vector<16xf32>
        %mul3A_413 = arith.mulf %mul3A_412, %get3A_411 : vector<16xf32>
        %add3A_414 = arith.addf %add3A_380, %mul3A_413 : vector<16xf32>
        %add3A_415 = arith.constant 16 : i32
        %add3A_416 = arith.addi %mul3A_407, %add3A_415 : i32
        %get3A_417 = arith.index_cast %add3A_416 : i32 to index
        %get3A_418 = tpu.vector_load %arg6[%get3A_417] {strides = array<i32>} : memref<64000xf32, #tpu.memory_space<vmem>>, vector<16xf32>,
        %mul3A_419 = vector.broadcast %squeeze3A_405 : f32 to vector<16xf32>
        %mul3A_420 = arith.mulf %mul3A_419, %get3A_418 : vector<16xf32>
        %add3A_421 = arith.addf %add3A_387, %mul3A_420 : vector<16xf32>
        %add3A_422 = arith.constant 32 : i32
        %add3A_423 = arith.addi %mul3A_407, %add3A_422 : i32
        %get3A_424 = arith.index_cast %add3A_423 : i32 to index
        %get3A_425 = tpu.vector_load %arg6[%get3A_424] {strides = array<i32>} : memref<64000xf32, #tpu.memory_space<vmem>>, vector<16xf32>,
        %mul3A_426 = vector.broadcast %squeeze3A_405 : f32 to vector<16xf32>
        %mul3A_427 = arith.mulf %mul3A_426, %get3A_425 : vector<16xf32>
        %add3A_428 = arith.addf %add3A_394, %mul3A_427 : vector<16xf32>
        %add3A_429 = arith.constant 48 : i32
        %add3A_430 = arith.addi %mul3A_407, %add3A_429 : i32
        %get3A_431 = arith.index_cast %add3A_430 : i32 to index
        %get3A_432 = tpu.vector_load %arg6[%get3A_431] {strides = array<i32>} : memref<64000xf32, #tpu.memory_space<vmem>>, vector<16xf32>,
        %mul3A_433 = vector.broadcast %squeeze3A_405 : f32 to vector<16xf32>
        %mul3A_434 = arith.mulf %mul3A_433, %get3A_432 : vector<16xf32>
        %add3A_435 = arith.addf %add3A_401, %mul3A_434 : vector<16xf32>
        %slice3A_436 = vector.extract_strided_slice %get3A_32 {offsets = [10], sizes = [1], strides = [1]} : vector<16xi32> to vector<1xi32>
        %squeeze3A_437 = vector.extract %slice3A_436[0] : i32 from vector<1xi32>
        %slice3A_438 = vector.extract_strided_slice %div3A_87 {offsets = [10], sizes = [1], strides = [1]} : vector<16xf32> to vector<1xf32>
        %squeeze3A_439 = vector.extract %slice3A_438[0] : f32 from vector<1xf32>
        %mul3A_440 = arith.constant 64 : i32
        %mul3A_441 = arith.muli %squeeze3A_437, %mul3A_440 : i32
        %add3A_442 = arith.constant 0 : i32
        %add3A_443 = arith.addi %mul3A_441, %add3A_442 : i32
        %get3A_444 = arith.index_cast %add3A_443 : i32 to index
        %get3A_445 = tpu.vector_load %arg6[%get3A_444] {strides = array<i32>} : memref<64000xf32, #tpu.memory_space<vmem>>, vector<16xf32>,
        %mul3A_446 = vector.broadcast %squeeze3A_439 : f32 to vector<16xf32>
        %mul3A_447 = arith.mulf %mul3A_446, %get3A_445 : vector<16xf32>
        %add3A_448 = arith.addf %add3A_414, %mul3A_447 : vector<16xf32>
        %add3A_449 = arith.constant 16 : i32
        %add3A_450 = arith.addi %mul3A_441, %add3A_449 : i32
        %get3A_451 = arith.index_cast %add3A_450 : i32 to index
        %get3A_452 = tpu.vector_load %arg6[%get3A_451] {strides = array<i32>} : memref<64000xf32, #tpu.memory_space<vmem>>, vector<16xf32>,
        %mul3A_453 = vector.broadcast %squeeze3A_439 : f32 to vector<16xf32>
        %mul3A_454 = arith.mulf %mul3A_453, %get3A_452 : vector<16xf32>
        %add3A_455 = arith.addf %add3A_421, %mul3A_454 : vector<16xf32>
        %add3A_456 = arith.constant 32 : i32
        %add3A_457 = arith.addi %mul3A_441, %add3A_456 : i32
        %get3A_458 = arith.index_cast %add3A_457 : i32 to index
        %get3A_459 = tpu.vector_load %arg6[%get3A_458] {strides = array<i32>} : memref<64000xf32, #tpu.memory_space<vmem>>, vector<16xf32>,
        %mul3A_460 = vector.broadcast %squeeze3A_439 : f32 to vector<16xf32>
        %mul3A_461 = arith.mulf %mul3A_460, %get3A_459 : vector<16xf32>
        %add3A_462 = arith.addf %add3A_428, %mul3A_461 : vector<16xf32>
        %add3A_463 = arith.constant 48 : i32
        %add3A_464 = arith.addi %mul3A_441, %add3A_463 : i32
        %get3A_465 = arith.index_cast %add3A_464 : i32 to index
        %get3A_466 = tpu.vector_load %arg6[%get3A_465] {strides = array<i32>} : memref<64000xf32, #tpu.memory_space<vmem>>, vector<16xf32>,
        %mul3A_467 = vector.broadcast %squeeze3A_439 : f32 to vector<16xf32>
        %mul3A_468 = arith.mulf %mul3A_467, %get3A_466 : vector<16xf32>
        %add3A_469 = arith.addf %add3A_435, %mul3A_468 : vector<16xf32>
        %slice3A_470 = vector.extract_strided_slice %get3A_32 {offsets = [11], sizes = [1], strides = [1]} : vector<16xi32> to vector<1xi32>
        %squeeze3A_471 = vector.extract %slice3A_470[0] : i32 from vector<1xi32>
        %slice3A_472 = vector.extract_strided_slice %div3A_87 {offsets = [11], sizes = [1], strides = [1]} : vector<16xf32> to vector<1xf32>
        %squeeze3A_473 = vector.extract %slice3A_472[0] : f32 from vector<1xf32>
        %mul3A_474 = arith.constant 64 : i32
        %mul3A_475 = arith.muli %squeeze3A_471, %mul3A_474 : i32
        %add3A_476 = arith.constant 0 : i32
        %add3A_477 = arith.addi %mul3A_475, %add3A_476 : i32
        %get3A_478 = arith.index_cast %add3A_477 : i32 to index
        %get3A_479 = tpu.vector_load %arg6[%get3A_478] {strides = array<i32>} : memref<64000xf32, #tpu.memory_space<vmem>>, vector<16xf32>,
        %mul3A_480 = vector.broadcast %squeeze3A_473 : f32 to vector<16xf32>
        %mul3A_481 = arith.mulf %mul3A_480, %get3A_479 : vector<16xf32>
        %add3A_482 = arith.addf %add3A_448, %mul3A_481 : vector<16xf32>
        %add3A_483 = arith.constant 16 : i32
        %add3A_484 = arith.addi %mul3A_475, %add3A_483 : i32
        %get3A_485 = arith.index_cast %add3A_484 : i32 to index
        %get3A_486 = tpu.vector_load %arg6[%get3A_485] {strides = array<i32>} : memref<64000xf32, #tpu.memory_space<vmem>>, vector<16xf32>,
        %mul3A_487 = vector.broadcast %squeeze3A_473 : f32 to vector<16xf32>
        %mul3A_488 = arith.mulf %mul3A_487, %get3A_486 : vector<16xf32>
        %add3A_489 = arith.addf %add3A_455, %mul3A_488 : vector<16xf32>
        %add3A_490 = arith.constant 32 : i32
        %add3A_491 = arith.addi %mul3A_475, %add3A_490 : i32
        %get3A_492 = arith.index_cast %add3A_491 : i32 to index
        %get3A_493 = tpu.vector_load %arg6[%get3A_492] {strides = array<i32>} : memref<64000xf32, #tpu.memory_space<vmem>>, vector<16xf32>,
        %mul3A_494 = vector.broadcast %squeeze3A_473 : f32 to vector<16xf32>
        %mul3A_495 = arith.mulf %mul3A_494, %get3A_493 : vector<16xf32>
        %add3A_496 = arith.addf %add3A_462, %mul3A_495 : vector<16xf32>
        %add3A_497 = arith.constant 48 : i32
        %add3A_498 = arith.addi %mul3A_475, %add3A_497 : i32
        %get3A_499 = arith.index_cast %add3A_498 : i32 to index
        %get3A_500 = tpu.vector_load %arg6[%get3A_499] {strides = array<i32>} : memref<64000xf32, #tpu.memory_space<vmem>>, vector<16xf32>,
        %mul3A_501 = vector.broadcast %squeeze3A_473 : f32 to vector<16xf32>
        %mul3A_502 = arith.mulf %mul3A_501, %get3A_500 : vector<16xf32>
        %add3A_503 = arith.addf %add3A_469, %mul3A_502 : vector<16xf32>
        %slice3A_504 = vector.extract_strided_slice %get3A_32 {offsets = [12], sizes = [1], strides = [1]} : vector<16xi32> to vector<1xi32>
        %squeeze3A_505 = vector.extract %slice3A_504[0] : i32 from vector<1xi32>
        %slice3A_506 = vector.extract_strided_slice %div3A_87 {offsets = [12], sizes = [1], strides = [1]} : vector<16xf32> to vector<1xf32>
        %squeeze3A_507 = vector.extract %slice3A_506[0] : f32 from vector<1xf32>
        %mul3A_508 = arith.constant 64 : i32
        %mul3A_509 = arith.muli %squeeze3A_505, %mul3A_508 : i32
        %add3A_510 = arith.constant 0 : i32
        %add3A_511 = arith.addi %mul3A_509, %add3A_510 : i32
        %get3A_512 = arith.index_cast %add3A_511 : i32 to index
        %get3A_513 = tpu.vector_load %arg6[%get3A_512] {strides = array<i32>} : memref<64000xf32, #tpu.memory_space<vmem>>, vector<16xf32>,
        %mul3A_514 = vector.broadcast %squeeze3A_507 : f32 to vector<16xf32>
        %mul3A_515 = arith.mulf %mul3A_514, %get3A_513 : vector<16xf32>
        %add3A_516 = arith.addf %add3A_482, %mul3A_515 : vector<16xf32>
        %add3A_517 = arith.constant 16 : i32
        %add3A_518 = arith.addi %mul3A_509, %add3A_517 : i32
        %get3A_519 = arith.index_cast %add3A_518 : i32 to index
        %get3A_520 = tpu.vector_load %arg6[%get3A_519] {strides = array<i32>} : memref<64000xf32, #tpu.memory_space<vmem>>, vector<16xf32>,
        %mul3A_521 = vector.broadcast %squeeze3A_507 : f32 to vector<16xf32>
        %mul3A_522 = arith.mulf %mul3A_521, %get3A_520 : vector<16xf32>
        %add3A_523 = arith.addf %add3A_489, %mul3A_522 : vector<16xf32>
        %add3A_524 = arith.constant 32 : i32
        %add3A_525 = arith.addi %mul3A_509, %add3A_524 : i32
        %get3A_526 = arith.index_cast %add3A_525 : i32 to index
        %get3A_527 = tpu.vector_load %arg6[%get3A_526] {strides = array<i32>} : memref<64000xf32, #tpu.memory_space<vmem>>, vector<16xf32>,
        %mul3A_528 = vector.broadcast %squeeze3A_507 : f32 to vector<16xf32>
        %mul3A_529 = arith.mulf %mul3A_528, %get3A_527 : vector<16xf32>
        %add3A_530 = arith.addf %add3A_496, %mul3A_529 : vector<16xf32>
        %add3A_531 = arith.constant 48 : i32
        %add3A_532 = arith.addi %mul3A_509, %add3A_531 : i32
        %get3A_533 = arith.index_cast %add3A_532 : i32 to index
        %get3A_534 = tpu.vector_load %arg6[%get3A_533] {strides = array<i32>} : memref<64000xf32, #tpu.memory_space<vmem>>, vector<16xf32>,
        %mul3A_535 = vector.broadcast %squeeze3A_507 : f32 to vector<16xf32>
        %mul3A_536 = arith.mulf %mul3A_535, %get3A_534 : vector<16xf32>
        %add3A_537 = arith.addf %add3A_503, %mul3A_536 : vector<16xf32>
        %slice3A_538 = vector.extract_strided_slice %get3A_32 {offsets = [13], sizes = [1], strides = [1]} : vector<16xi32> to vector<1xi32>
        %squeeze3A_539 = vector.extract %slice3A_538[0] : i32 from vector<1xi32>
        %slice3A_540 = vector.extract_strided_slice %div3A_87 {offsets = [13], sizes = [1], strides = [1]} : vector<16xf32> to vector<1xf32>
        %squeeze3A_541 = vector.extract %slice3A_540[0] : f32 from vector<1xf32>
        %mul3A_542 = arith.constant 64 : i32
        %mul3A_543 = arith.muli %squeeze3A_539, %mul3A_542 : i32
        %add3A_544 = arith.constant 0 : i32
        %add3A_545 = arith.addi %mul3A_543, %add3A_544 : i32
        %get3A_546 = arith.index_cast %add3A_545 : i32 to index
        %get3A_547 = tpu.vector_load %arg6[%get3A_546] {strides = array<i32>} : memref<64000xf32, #tpu.memory_space<vmem>>, vector<16xf32>,
        %mul3A_548 = vector.broadcast %squeeze3A_541 : f32 to vector<16xf32>
        %mul3A_549 = arith.mulf %mul3A_548, %get3A_547 : vector<16xf32>
        %add3A_550 = arith.addf %add3A_516, %mul3A_549 : vector<16xf32>
        %add3A_551 = arith.constant 16 : i32
        %add3A_552 = arith.addi %mul3A_543, %add3A_551 : i32
        %get3A_553 = arith.index_cast %add3A_552 : i32 to index
        %get3A_554 = tpu.vector_load %arg6[%get3A_553] {strides = array<i32>} : memref<64000xf32, #tpu.memory_space<vmem>>, vector<16xf32>,
        %mul3A_555 = vector.broadcast %squeeze3A_541 : f32 to vector<16xf32>
        %mul3A_556 = arith.mulf %mul3A_555, %get3A_554 : vector<16xf32>
        %add3A_557 = arith.addf %add3A_523, %mul3A_556 : vector<16xf32>
        %add3A_558 = arith.constant 32 : i32
        %add3A_559 = arith.addi %mul3A_543, %add3A_558 : i32
        %get3A_560 = arith.index_cast %add3A_559 : i32 to index
        %get3A_561 = tpu.vector_load %arg6[%get3A_560] {strides = array<i32>} : memref<64000xf32, #tpu.memory_space<vmem>>, vector<16xf32>,
        %mul3A_562 = vector.broadcast %squeeze3A_541 : f32 to vector<16xf32>
        %mul3A_563 = arith.mulf %mul3A_562, %get3A_561 : vector<16xf32>
        %add3A_564 = arith.addf %add3A_530, %mul3A_563 : vector<16xf32>
        %add3A_565 = arith.constant 48 : i32
        %add3A_566 = arith.addi %mul3A_543, %add3A_565 : i32
        %get3A_567 = arith.index_cast %add3A_566 : i32 to index
        %get3A_568 = tpu.vector_load %arg6[%get3A_567] {strides = array<i32>} : memref<64000xf32, #tpu.memory_space<vmem>>, vector<16xf32>,
        %mul3A_569 = vector.broadcast %squeeze3A_541 : f32 to vector<16xf32>
        %mul3A_570 = arith.mulf %mul3A_569, %get3A_568 : vector<16xf32>
        %add3A_571 = arith.addf %add3A_537, %mul3A_570 : vector<16xf32>
        %slice3A_572 = vector.extract_strided_slice %get3A_32 {offsets = [14], sizes = [1], strides = [1]} : vector<16xi32> to vector<1xi32>
        %squeeze3A_573 = vector.extract %slice3A_572[0] : i32 from vector<1xi32>
        %slice3A_574 = vector.extract_strided_slice %div3A_87 {offsets = [14], sizes = [1], strides = [1]} : vector<16xf32> to vector<1xf32>
        %squeeze3A_575 = vector.extract %slice3A_574[0] : f32 from vector<1xf32>
        %mul3A_576 = arith.constant 64 : i32
        %mul3A_577 = arith.muli %squeeze3A_573, %mul3A_576 : i32
        %add3A_578 = arith.constant 0 : i32
        %add3A_579 = arith.addi %mul3A_577, %add3A_578 : i32
        %get3A_580 = arith.index_cast %add3A_579 : i32 to index
        %get3A_581 = tpu.vector_load %arg6[%get3A_580] {strides = array<i32>} : memref<64000xf32, #tpu.memory_space<vmem>>, vector<16xf32>,
        %mul3A_582 = vector.broadcast %squeeze3A_575 : f32 to vector<16xf32>
        %mul3A_583 = arith.mulf %mul3A_582, %get3A_581 : vector<16xf32>
        %add3A_584 = arith.addf %add3A_550, %mul3A_583 : vector<16xf32>
        %add3A_585 = arith.constant 16 : i32
        %add3A_586 = arith.addi %mul3A_577, %add3A_585 : i32
        %get3A_587 = arith.index_cast %add3A_586 : i32 to index
        %get3A_588 = tpu.vector_load %arg6[%get3A_587] {strides = array<i32>} : memref<64000xf32, #tpu.memory_space<vmem>>, vector<16xf32>,
        %mul3A_589 = vector.broadcast %squeeze3A_575 : f32 to vector<16xf32>
        %mul3A_590 = arith.mulf %mul3A_589, %get3A_588 : vector<16xf32>
        %add3A_591 = arith.addf %add3A_557, %mul3A_590 : vector<16xf32>
        %add3A_592 = arith.constant 32 : i32
        %add3A_593 = arith.addi %mul3A_577, %add3A_592 : i32
        %get3A_594 = arith.index_cast %add3A_593 : i32 to index
        %get3A_595 = tpu.vector_load %arg6[%get3A_594] {strides = array<i32>} : memref<64000xf32, #tpu.memory_space<vmem>>, vector<16xf32>,
        %mul3A_596 = vector.broadcast %squeeze3A_575 : f32 to vector<16xf32>
        %mul3A_597 = arith.mulf %mul3A_596, %get3A_595 : vector<16xf32>
        %add3A_598 = arith.addf %add3A_564, %mul3A_597 : vector<16xf32>
        %add3A_599 = arith.constant 48 : i32
        %add3A_600 = arith.addi %mul3A_577, %add3A_599 : i32
        %get3A_601 = arith.index_cast %add3A_600 : i32 to index
        %get3A_602 = tpu.vector_load %arg6[%get3A_601] {strides = array<i32>} : memref<64000xf32, #tpu.memory_space<vmem>>, vector<16xf32>,
        %mul3A_603 = vector.broadcast %squeeze3A_575 : f32 to vector<16xf32>
        %mul3A_604 = arith.mulf %mul3A_603, %get3A_602 : vector<16xf32>
        %add3A_605 = arith.addf %add3A_571, %mul3A_604 : vector<16xf32>
        %slice3A_606 = vector.extract_strided_slice %get3A_32 {offsets = [15], sizes = [1], strides = [1]} : vector<16xi32> to vector<1xi32>
        %squeeze3A_607 = vector.extract %slice3A_606[0] : i32 from vector<1xi32>
        %slice3A_608 = vector.extract_strided_slice %div3A_87 {offsets = [15], sizes = [1], strides = [1]} : vector<16xf32> to vector<1xf32>
        %squeeze3A_609 = vector.extract %slice3A_608[0] : f32 from vector<1xf32>
        %mul3A_610 = arith.constant 64 : i32
        %mul3A_611 = arith.muli %squeeze3A_607, %mul3A_610 : i32
        %add3A_612 = arith.constant 0 : i32
        %add3A_613 = arith.addi %mul3A_611, %add3A_612 : i32
        %get3A_614 = arith.index_cast %add3A_613 : i32 to index
        %get3A_615 = tpu.vector_load %arg6[%get3A_614] {strides = array<i32>} : memref<64000xf32, #tpu.memory_space<vmem>>, vector<16xf32>,
        %mul3A_616 = vector.broadcast %squeeze3A_609 : f32 to vector<16xf32>
        %mul3A_617 = arith.mulf %mul3A_616, %get3A_615 : vector<16xf32>
        %add3A_618 = arith.addf %add3A_584, %mul3A_617 : vector<16xf32>
        %add3A_619 = arith.constant 16 : i32
        %add3A_620 = arith.addi %mul3A_611, %add3A_619 : i32
        %get3A_621 = arith.index_cast %add3A_620 : i32 to index
        %get3A_622 = tpu.vector_load %arg6[%get3A_621] {strides = array<i32>} : memref<64000xf32, #tpu.memory_space<vmem>>, vector<16xf32>,
        %mul3A_623 = vector.broadcast %squeeze3A_609 : f32 to vector<16xf32>
        %mul3A_624 = arith.mulf %mul3A_623, %get3A_622 : vector<16xf32>
        %add3A_625 = arith.addf %add3A_591, %mul3A_624 : vector<16xf32>
        %add3A_626 = arith.constant 32 : i32
        %add3A_627 = arith.addi %mul3A_611, %add3A_626 : i32
        %get3A_628 = arith.index_cast %add3A_627 : i32 to index
        %get3A_629 = tpu.vector_load %arg6[%get3A_628] {strides = array<i32>} : memref<64000xf32, #tpu.memory_space<vmem>>, vector<16xf32>,
        %mul3A_630 = vector.broadcast %squeeze3A_609 : f32 to vector<16xf32>
        %mul3A_631 = arith.mulf %mul3A_630, %get3A_629 : vector<16xf32>
        %add3A_632 = arith.addf %add3A_598, %mul3A_631 : vector<16xf32>
        %add3A_633 = arith.constant 48 : i32
        %add3A_634 = arith.addi %mul3A_611, %add3A_633 : i32
        %get3A_635 = arith.index_cast %add3A_634 : i32 to index
        %get3A_636 = tpu.vector_load %arg6[%get3A_635] {strides = array<i32>} : memref<64000xf32, #tpu.memory_space<vmem>>, vector<16xf32>,
        %mul3A_637 = vector.broadcast %squeeze3A_609 : f32 to vector<16xf32>
        %mul3A_638 = arith.mulf %mul3A_637, %get3A_636 : vector<16xf32>
        %add3A_639 = arith.addf %add3A_605, %mul3A_638 : vector<16xf32>
        %slice3A_640 = vector.extract_strided_slice %get3A_38 {offsets = [0], sizes = [1], strides = [1]} : vector<16xi32> to vector<1xi32>
        %squeeze3A_641 = vector.extract %slice3A_640[0] : i32 from vector<1xi32>
        %slice3A_642 = vector.extract_strided_slice %div3A_89 {offsets = [0], sizes = [1], strides = [1]} : vector<16xf32> to vector<1xf32>
        %squeeze3A_643 = vector.extract %slice3A_642[0] : f32 from vector<1xf32>
        %mul3A_644 = arith.constant 64 : i32
        %mul3A_645 = arith.muli %squeeze3A_641, %mul3A_644 : i32
        %add3A_646 = arith.constant 0 : i32
        %add3A_647 = arith.addi %mul3A_645, %add3A_646 : i32
        %get3A_648 = arith.index_cast %add3A_647 : i32 to index
        %get3A_649 = tpu.vector_load %arg6[%get3A_648] {strides = array<i32>} : memref<64000xf32, #tpu.memory_space<vmem>>, vector<16xf32>,
        %mul3A_650 = vector.broadcast %squeeze3A_643 : f32 to vector<16xf32>
        %mul3A_651 = arith.mulf %mul3A_650, %get3A_649 : vector<16xf32>
        %add3A_652 = arith.addf %add3A_618, %mul3A_651 : vector<16xf32>
        %add3A_653 = arith.constant 16 : i32
        %add3A_654 = arith.addi %mul3A_645, %add3A_653 : i32
        %get3A_655 = arith.index_cast %add3A_654 : i32 to index
        %get3A_656 = tpu.vector_load %arg6[%get3A_655] {strides = array<i32>} : memref<64000xf32, #tpu.memory_space<vmem>>, vector<16xf32>,
        %mul3A_657 = vector.broadcast %squeeze3A_643 : f32 to vector<16xf32>
        %mul3A_658 = arith.mulf %mul3A_657, %get3A_656 : vector<16xf32>
        %add3A_659 = arith.addf %add3A_625, %mul3A_658 : vector<16xf32>
        %add3A_660 = arith.constant 32 : i32
        %add3A_661 = arith.addi %mul3A_645, %add3A_660 : i32
        %get3A_662 = arith.index_cast %add3A_661 : i32 to index
        %get3A_663 = tpu.vector_load %arg6[%get3A_662] {strides = array<i32>} : memref<64000xf32, #tpu.memory_space<vmem>>, vector<16xf32>,
        %mul3A_664 = vector.broadcast %squeeze3A_643 : f32 to vector<16xf32>
        %mul3A_665 = arith.mulf %mul3A_664, %get3A_663 : vector<16xf32>
        %add3A_666 = arith.addf %add3A_632, %mul3A_665 : vector<16xf32>
        %add3A_667 = arith.constant 48 : i32
        %add3A_668 = arith.addi %mul3A_645, %add3A_667 : i32
        %get3A_669 = arith.index_cast %add3A_668 : i32 to index
        %get3A_670 = tpu.vector_load %arg6[%get3A_669] {strides = array<i32>} : memref<64000xf32, #tpu.memory_space<vmem>>, vector<16xf32>,
        %mul3A_671 = vector.broadcast %squeeze3A_643 : f32 to vector<16xf32>
        %mul3A_672 = arith.mulf %mul3A_671, %get3A_670 : vector<16xf32>
        %add3A_673 = arith.addf %add3A_639, %mul3A_672 : vector<16xf32>
        %slice3A_674 = vector.extract_strided_slice %get3A_38 {offsets = [1], sizes = [1], strides = [1]} : vector<16xi32> to vector<1xi32>
        %squeeze3A_675 = vector.extract %slice3A_674[0] : i32 from vector<1xi32>
        %slice3A_676 = vector.extract_strided_slice %div3A_89 {offsets = [1], sizes = [1], strides = [1]} : vector<16xf32> to vector<1xf32>
        %squeeze3A_677 = vector.extract %slice3A_676[0] : f32 from vector<1xf32>
        %mul3A_678 = arith.constant 64 : i32
        %mul3A_679 = arith.muli %squeeze3A_675, %mul3A_678 : i32
        %add3A_680 = arith.constant 0 : i32
        %add3A_681 = arith.addi %mul3A_679, %add3A_680 : i32
        %get3A_682 = arith.index_cast %add3A_681 : i32 to index
        %get3A_683 = tpu.vector_load %arg6[%get3A_682] {strides = array<i32>} : memref<64000xf32, #tpu.memory_space<vmem>>, vector<16xf32>,
        %mul3A_684 = vector.broadcast %squeeze3A_677 : f32 to vector<16xf32>
        %mul3A_685 = arith.mulf %mul3A_684, %get3A_683 : vector<16xf32>
        %add3A_686 = arith.addf %add3A_652, %mul3A_685 : vector<16xf32>
        %add3A_687 = arith.constant 16 : i32
        %add3A_688 = arith.addi %mul3A_679, %add3A_687 : i32
        %get3A_689 = arith.index_cast %add3A_688 : i32 to index
        %get3A_690 = tpu.vector_load %arg6[%get3A_689] {strides = array<i32>} : memref<64000xf32, #tpu.memory_space<vmem>>, vector<16xf32>,
        %mul3A_691 = vector.broadcast %squeeze3A_677 : f32 to vector<16xf32>
        %mul3A_692 = arith.mulf %mul3A_691, %get3A_690 : vector<16xf32>
        %add3A_693 = arith.addf %add3A_659, %mul3A_692 : vector<16xf32>
        %add3A_694 = arith.constant 32 : i32
        %add3A_695 = arith.addi %mul3A_679, %add3A_694 : i32
        %get3A_696 = arith.index_cast %add3A_695 : i32 to index
        %get3A_697 = tpu.vector_load %arg6[%get3A_696] {strides = array<i32>} : memref<64000xf32, #tpu.memory_space<vmem>>, vector<16xf32>,
        %mul3A_698 = vector.broadcast %squeeze3A_677 : f32 to vector<16xf32>
        %mul3A_699 = arith.mulf %mul3A_698, %get3A_697 : vector<16xf32>
        %add3A_700 = arith.addf %add3A_666, %mul3A_699 : vector<16xf32>
        %add3A_701 = arith.constant 48 : i32
        %add3A_702 = arith.addi %mul3A_679, %add3A_701 : i32
        %get3A_703 = arith.index_cast %add3A_702 : i32 to index
        %get3A_704 = tpu.vector_load %arg6[%get3A_703] {strides = array<i32>} : memref<64000xf32, #tpu.memory_space<vmem>>, vector<16xf32>,
        %mul3A_705 = vector.broadcast %squeeze3A_677 : f32 to vector<16xf32>
        %mul3A_706 = arith.mulf %mul3A_705, %get3A_704 : vector<16xf32>
        %add3A_707 = arith.addf %add3A_673, %mul3A_706 : vector<16xf32>
        %slice3A_708 = vector.extract_strided_slice %get3A_38 {offsets = [2], sizes = [1], strides = [1]} : vector<16xi32> to vector<1xi32>
        %squeeze3A_709 = vector.extract %slice3A_708[0] : i32 from vector<1xi32>
        %slice3A_710 = vector.extract_strided_slice %div3A_89 {offsets = [2], sizes = [1], strides = [1]} : vector<16xf32> to vector<1xf32>
        %squeeze3A_711 = vector.extract %slice3A_710[0] : f32 from vector<1xf32>
        %mul3A_712 = arith.constant 64 : i32
        %mul3A_713 = arith.muli %squeeze3A_709, %mul3A_712 : i32
        %add3A_714 = arith.constant 0 : i32
        %add3A_715 = arith.addi %mul3A_713, %add3A_714 : i32
        %get3A_716 = arith.index_cast %add3A_715 : i32 to index
        %get3A_717 = tpu.vector_load %arg6[%get3A_716] {strides = array<i32>} : memref<64000xf32, #tpu.memory_space<vmem>>, vector<16xf32>,
        %mul3A_718 = vector.broadcast %squeeze3A_711 : f32 to vector<16xf32>
        %mul3A_719 = arith.mulf %mul3A_718, %get3A_717 : vector<16xf32>
        %add3A_720 = arith.addf %add3A_686, %mul3A_719 : vector<16xf32>
        %add3A_721 = arith.constant 16 : i32
        %add3A_722 = arith.addi %mul3A_713, %add3A_721 : i32
        %get3A_723 = arith.index_cast %add3A_722 : i32 to index
        %get3A_724 = tpu.vector_load %arg6[%get3A_723] {strides = array<i32>} : memref<64000xf32, #tpu.memory_space<vmem>>, vector<16xf32>,
        %mul3A_725 = vector.broadcast %squeeze3A_711 : f32 to vector<16xf32>
        %mul3A_726 = arith.mulf %mul3A_725, %get3A_724 : vector<16xf32>
        %add3A_727 = arith.addf %add3A_693, %mul3A_726 : vector<16xf32>
        %add3A_728 = arith.constant 32 : i32
        %add3A_729 = arith.addi %mul3A_713, %add3A_728 : i32
        %get3A_730 = arith.index_cast %add3A_729 : i32 to index
        %get3A_731 = tpu.vector_load %arg6[%get3A_730] {strides = array<i32>} : memref<64000xf32, #tpu.memory_space<vmem>>, vector<16xf32>,
        %mul3A_732 = vector.broadcast %squeeze3A_711 : f32 to vector<16xf32>
        %mul3A_733 = arith.mulf %mul3A_732, %get3A_731 : vector<16xf32>
        %add3A_734 = arith.addf %add3A_700, %mul3A_733 : vector<16xf32>
        %add3A_735 = arith.constant 48 : i32
        %add3A_736 = arith.addi %mul3A_713, %add3A_735 : i32
        %get3A_737 = arith.index_cast %add3A_736 : i32 to index
        %get3A_738 = tpu.vector_load %arg6[%get3A_737] {strides = array<i32>} : memref<64000xf32, #tpu.memory_space<vmem>>, vector<16xf32>,
        %mul3A_739 = vector.broadcast %squeeze3A_711 : f32 to vector<16xf32>
        %mul3A_740 = arith.mulf %mul3A_739, %get3A_738 : vector<16xf32>
        %add3A_741 = arith.addf %add3A_707, %mul3A_740 : vector<16xf32>
        %slice3A_742 = vector.extract_strided_slice %get3A_38 {offsets = [3], sizes = [1], strides = [1]} : vector<16xi32> to vector<1xi32>
        %squeeze3A_743 = vector.extract %slice3A_742[0] : i32 from vector<1xi32>
        %slice3A_744 = vector.extract_strided_slice %div3A_89 {offsets = [3], sizes = [1], strides = [1]} : vector<16xf32> to vector<1xf32>
        %squeeze3A_745 = vector.extract %slice3A_744[0] : f32 from vector<1xf32>
        %mul3A_746 = arith.constant 64 : i32
        %mul3A_747 = arith.muli %squeeze3A_743, %mul3A_746 : i32
        %add3A_748 = arith.constant 0 : i32
        %add3A_749 = arith.addi %mul3A_747, %add3A_748 : i32
        %get3A_750 = arith.index_cast %add3A_749 : i32 to index
        %get3A_751 = tpu.vector_load %arg6[%get3A_750] {strides = array<i32>} : memref<64000xf32, #tpu.memory_space<vmem>>, vector<16xf32>,
        %mul3A_752 = vector.broadcast %squeeze3A_745 : f32 to vector<16xf32>
        %mul3A_753 = arith.mulf %mul3A_752, %get3A_751 : vector<16xf32>
        %add3A_754 = arith.addf %add3A_720, %mul3A_753 : vector<16xf32>
        %add3A_755 = arith.constant 16 : i32
        %add3A_756 = arith.addi %mul3A_747, %add3A_755 : i32
        %get3A_757 = arith.index_cast %add3A_756 : i32 to index
        %get3A_758 = tpu.vector_load %arg6[%get3A_757] {strides = array<i32>} : memref<64000xf32, #tpu.memory_space<vmem>>, vector<16xf32>,
        %mul3A_759 = vector.broadcast %squeeze3A_745 : f32 to vector<16xf32>
        %mul3A_760 = arith.mulf %mul3A_759, %get3A_758 : vector<16xf32>
        %add3A_761 = arith.addf %add3A_727, %mul3A_760 : vector<16xf32>
        %add3A_762 = arith.constant 32 : i32
        %add3A_763 = arith.addi %mul3A_747, %add3A_762 : i32
        %get3A_764 = arith.index_cast %add3A_763 : i32 to index
        %get3A_765 = tpu.vector_load %arg6[%get3A_764] {strides = array<i32>} : memref<64000xf32, #tpu.memory_space<vmem>>, vector<16xf32>,
        %mul3A_766 = vector.broadcast %squeeze3A_745 : f32 to vector<16xf32>
        %mul3A_767 = arith.mulf %mul3A_766, %get3A_765 : vector<16xf32>
        %add3A_768 = arith.addf %add3A_734, %mul3A_767 : vector<16xf32>
        %add3A_769 = arith.constant 48 : i32
        %add3A_770 = arith.addi %mul3A_747, %add3A_769 : i32
        %get3A_771 = arith.index_cast %add3A_770 : i32 to index
        %get3A_772 = tpu.vector_load %arg6[%get3A_771] {strides = array<i32>} : memref<64000xf32, #tpu.memory_space<vmem>>, vector<16xf32>,
        %mul3A_773 = vector.broadcast %squeeze3A_745 : f32 to vector<16xf32>
        %mul3A_774 = arith.mulf %mul3A_773, %get3A_772 : vector<16xf32>
        %add3A_775 = arith.addf %add3A_741, %mul3A_774 : vector<16xf32>
        %slice3A_776 = vector.extract_strided_slice %get3A_38 {offsets = [4], sizes = [1], strides = [1]} : vector<16xi32> to vector<1xi32>
        %squeeze3A_777 = vector.extract %slice3A_776[0] : i32 from vector<1xi32>
        %slice3A_778 = vector.extract_strided_slice %div3A_89 {offsets = [4], sizes = [1], strides = [1]} : vector<16xf32> to vector<1xf32>
        %squeeze3A_779 = vector.extract %slice3A_778[0] : f32 from vector<1xf32>
        %mul3A_780 = arith.constant 64 : i32
        %mul3A_781 = arith.muli %squeeze3A_777, %mul3A_780 : i32
        %add3A_782 = arith.constant 0 : i32
        %add3A_783 = arith.addi %mul3A_781, %add3A_782 : i32
        %get3A_784 = arith.index_cast %add3A_783 : i32 to index
        %get3A_785 = tpu.vector_load %arg6[%get3A_784] {strides = array<i32>} : memref<64000xf32, #tpu.memory_space<vmem>>, vector<16xf32>,
        %mul3A_786 = vector.broadcast %squeeze3A_779 : f32 to vector<16xf32>
        %mul3A_787 = arith.mulf %mul3A_786, %get3A_785 : vector<16xf32>
        %add3A_788 = arith.addf %add3A_754, %mul3A_787 : vector<16xf32>
        %add3A_789 = arith.constant 16 : i32
        %add3A_790 = arith.addi %mul3A_781, %add3A_789 : i32
        %get3A_791 = arith.index_cast %add3A_790 : i32 to index
        %get3A_792 = tpu.vector_load %arg6[%get3A_791] {strides = array<i32>} : memref<64000xf32, #tpu.memory_space<vmem>>, vector<16xf32>,
        %mul3A_793 = vector.broadcast %squeeze3A_779 : f32 to vector<16xf32>
        %mul3A_794 = arith.mulf %mul3A_793, %get3A_792 : vector<16xf32>
        %add3A_795 = arith.addf %add3A_761, %mul3A_794 : vector<16xf32>
        %add3A_796 = arith.constant 32 : i32
        %add3A_797 = arith.addi %mul3A_781, %add3A_796 : i32
        %get3A_798 = arith.index_cast %add3A_797 : i32 to index
        %get3A_799 = tpu.vector_load %arg6[%get3A_798] {strides = array<i32>} : memref<64000xf32, #tpu.memory_space<vmem>>, vector<16xf32>,
        %mul3A_800 = vector.broadcast %squeeze3A_779 : f32 to vector<16xf32>
        %mul3A_801 = arith.mulf %mul3A_800, %get3A_799 : vector<16xf32>
        %add3A_802 = arith.addf %add3A_768, %mul3A_801 : vector<16xf32>
        %add3A_803 = arith.constant 48 : i32
        %add3A_804 = arith.addi %mul3A_781, %add3A_803 : i32
        %get3A_805 = arith.index_cast %add3A_804 : i32 to index
        %get3A_806 = tpu.vector_load %arg6[%get3A_805] {strides = array<i32>} : memref<64000xf32, #tpu.memory_space<vmem>>, vector<16xf32>,
        %mul3A_807 = vector.broadcast %squeeze3A_779 : f32 to vector<16xf32>
        %mul3A_808 = arith.mulf %mul3A_807, %get3A_806 : vector<16xf32>
        %add3A_809 = arith.addf %add3A_775, %mul3A_808 : vector<16xf32>
        %mul3A_810 = arith.constant 64 : i32
        %mul3A_811 = arith.muli %scan3A_26, %mul3A_810 : i32
        %add3A_812 = arith.constant 0 : i32
        %add3A_813 = arith.addi %mul3A_811, %add3A_812 : i32
        %swap3A = arith.index_cast %add3A_813 : i32 to index
        %swap3A_814 = tpu.vector_load %arg10[%swap3A] {strides = array<i32>} : memref<8000xf32, #tpu.memory_space<vmem>>, vector<16xf32>,
        tpu.vector_store %arg10[%swap3A], %add3A_788 {strides = array<i32>} : memref<8000xf32, #tpu.memory_space<vmem>>, vector<16xf32>,
        %add3A_815 = arith.constant 16 : i32
        %add3A_816 = arith.addi %mul3A_811, %add3A_815 : i32
        %swap3A_817 = arith.index_cast %add3A_816 : i32 to index
        %swap3A_818 = tpu.vector_load %arg10[%swap3A_817] {strides = array<i32>} : memref<8000xf32, #tpu.memory_space<vmem>>, vector<16xf32>,
        tpu.vector_store %arg10[%swap3A_817], %add3A_795 {strides = array<i32>} : memref<8000xf32, #tpu.memory_space<vmem>>, vector<16xf32>,
        %add3A_819 = arith.constant 32 : i32
        %add3A_820 = arith.addi %mul3A_811, %add3A_819 : i32
        %swap3A_821 = arith.index_cast %add3A_820 : i32 to index
        %swap3A_822 = tpu.vector_load %arg10[%swap3A_821] {strides = array<i32>} : memref<8000xf32, #tpu.memory_space<vmem>>, vector<16xf32>,
        tpu.vector_store %arg10[%swap3A_821], %add3A_802 {strides = array<i32>} : memref<8000xf32, #tpu.memory_space<vmem>>, vector<16xf32>,
        %add3A_823 = arith.constant 48 : i32
        %add3A_824 = arith.addi %mul3A_811, %add3A_823 : i32
        %swap3A_825 = arith.index_cast %add3A_824 : i32 to index
        %swap3A_826 = tpu.vector_load %arg10[%swap3A_825] {strides = array<i32>} : memref<8000xf32, #tpu.memory_space<vmem>>, vector<16xf32>,
        tpu.vector_store %arg10[%swap3A_825], %add3A_809 {strides = array<i32>} : memref<8000xf32, #tpu.memory_space<vmem>>, vector<16xf32>,
      }
      %scan3A_19 = arith.constant 125 : i32
      %mul3A_20 = arith.constant 64000 : i32
      %mul3A_21 = arith.muli %add3A, %mul3A_20 : i32
      %mul3A_22 = arith.constant 8000 : i32
      %mul3A_23 = arith.muli %scan3A_13, %mul3A_22 : i32
      %add3A_24 = arith.addi %mul3A_21, %mul3A_23 : i32
      "tpu.region"() ({
        %run_scoped3A_26 = tpu.sem_alloc : memref<!tpu.dma_semaphore, #tpu.memory_space<semaphore_mem>>
        %dma_start3A = tpu.memref_slice %arg5[%add3A_24] : memref<2048000xf32, #tpu.memory_space<hbm>> -> memref<8000xf32, #tpu.memory_space<hbm>>
        %dma_start3A_27 = tpu.memref_slice %arg5[%add3A_24] : memref<2048000xf32, #tpu.memory_space<hbm>> -> memref<8000xf32, #tpu.memory_space<hbm>>
        tpu.enqueue_dma source(%arg10 : memref<8000xf32, #tpu.memory_space<vmem>>) target(%dma_start3A_27 : memref<8000xf32, #tpu.memory_space<hbm>>) target_semaphore(%run_scoped3A_26 : memref<!tpu.dma_semaphore, #tpu.memory_space<semaphore_mem>>)
        %dma_wait3A = tpu.memref_slice %arg5[%add3A_24] : memref<2048000xf32, #tpu.memory_space<hbm>> -> memref<8000xf32, #tpu.memory_space<hbm>>
        %dma_wait3A_28 = tpu.memref_slice %arg5[%add3A_24] : memref<2048000xf32, #tpu.memory_space<hbm>> -> memref<8000xf32, #tpu.memory_space<hbm>>
        tpu.wait_dma2 semaphore(%run_scoped3A_26 : memref<!tpu.dma_semaphore, #tpu.memory_space<semaphore_mem>>) src(%arg10 : memref<8000xf32, #tpu.memory_space<vmem>>) dst(%dma_wait3A_28 : memref<8000xf32, #tpu.memory_space<hbm>>)
        tpu.yield
      }) : () -> ()
      %scan3A_25 = arith.constant 0 : i32
      scf.yield %scan3A_25 : i32
    }
    %scan3A_12 = arith.constant 8 : i32
    return
  }
}

module attributes {stable_mosaic.version = 14 : i64} {
  func.func @_dense_pre_body(%arg0: i32, %arg1: memref<2000x64xf32, #tpu.memory_space<vmem>>, %arg2: memref<64x64xf32, #tpu.memory_space<vmem>>, %arg3: memref<64x2xf32, #tpu.memory_space<vmem>>, %arg4: memref<1000x64xf32, #tpu.memory_space<vmem>>, %arg5: memref<64x2xf32, #tpu.memory_space<vmem>>, %arg6: memref<2000x64xf32, #tpu.memory_space<vmem>>, %arg7: memref<2000x2xf32, #tpu.memory_space<vmem>>) attributes {dimension_semantics = [#tpu.dimension_semantics<arbitrary>], iteration_bounds = array<i64: 16>, scalar_prefetch = 0 : i64, scratch_operands = 0 : i64, tpu.core_type = #tpu.core_type<tc>, window_params = [{transform_indices = @transform_0, window_bounds = array<i64: 2000, 64>}, {pipeline_mode = #tpu.pipeline_mode<synchronous>, transform_indices = @transform_1, window_bounds = array<i64: 64, 64>}, {pipeline_mode = #tpu.pipeline_mode<synchronous>, transform_indices = @transform_2, window_bounds = array<i64: 64, 2>}, {pipeline_mode = #tpu.pipeline_mode<synchronous>, transform_indices = @transform_3, window_bounds = array<i64: 1000, 64>}, {pipeline_mode = #tpu.pipeline_mode<synchronous>, transform_indices = @transform_4, window_bounds = array<i64: 64, 2>}, {transform_indices = @transform_5, window_bounds = array<i64: 2000, 64>}, {transform_indices = @transform_6, window_bounds = array<i64: 2000, 2>}]} {
    %get3A = arith.constant 0 : index
    %get3A_0 = arith.constant 0 : index
    %get3A_1 = vector.load %arg1[%get3A, %get3A_0] : memref<2000x64xf32, #tpu.memory_space<vmem>>, vector<2000x64xf32>
    %get3A_2 = arith.constant 0 : index
    %get3A_3 = arith.constant 0 : index
    %get3A_4 = vector.load %arg2[%get3A_2, %get3A_3] : memref<64x64xf32, #tpu.memory_space<vmem>>, vector<64x64xf32>
    %dot_general3A = arith.constant dense<0.000000e+00> : vector<2000x64xf32>
    %dot_general3A_5 = tpu.matmul %get3A_1, %get3A_4, %dot_general3A {dimension_numbers = #tpu.dot_dimension_numbers<[1], [0], [0], [1], [0, 0, 1, 1], [], []>, precision = #tpu.contract_precision<fp32>, transpose_lhs_hint = false} : vector<2000x64xf32>, vector<64x64xf32>, vector<2000x64xf32> -> vector<2000x64xf32>
    %swap3A = arith.constant 0 : index
    %swap3A_6 = arith.constant 0 : index
    %swap3A_7 = vector.load %arg6[%swap3A, %swap3A_6] : memref<2000x64xf32, #tpu.memory_space<vmem>>, vector<2000x64xf32>
    tpu.vector_store %arg6[%swap3A, %swap3A_6], %dot_general3A_5 {strides = array<i32>} : memref<2000x64xf32, #tpu.memory_space<vmem>>, vector<2000x64xf32>,
    %get3A_8 = arith.constant 0 : index
    %get3A_9 = arith.constant 0 : index
    %get3A_10 = vector.load %arg3[%get3A_8, %get3A_9] : memref<64x2xf32, #tpu.memory_space<vmem>>, vector<64x2xf32>
    %dot_general3A_11 = arith.constant dense<0.000000e+00> : vector<2000x2xf32>
    %dot_general3A_12 = tpu.matmul %dot_general3A_5, %get3A_10, %dot_general3A_11 {dimension_numbers = #tpu.dot_dimension_numbers<[1], [0], [0], [1], [0, 0, 1, 1], [], []>, precision = #tpu.contract_precision<fp32>, transpose_lhs_hint = false} : vector<2000x64xf32>, vector<64x2xf32>, vector<2000x2xf32> -> vector<2000x2xf32>
    %get3A_13 = arith.constant 0 : index
    %get3A_14 = arith.constant 0 : index
    %get3A_15 = vector.load %arg4[%get3A_13, %get3A_14] : memref<1000x64xf32, #tpu.memory_space<vmem>>, vector<1000x64xf32>
    %get3A_16 = arith.constant 0 : index
    %get3A_17 = arith.constant 0 : index
    %get3A_18 = vector.load %arg5[%get3A_16, %get3A_17] : memref<64x2xf32, #tpu.memory_space<vmem>>, vector<64x2xf32>
    %dot_general3A_19 = arith.constant dense<0.000000e+00> : vector<1000x2xf32>
    %dot_general3A_20 = tpu.matmul %get3A_15, %get3A_18, %dot_general3A_19 {dimension_numbers = #tpu.dot_dimension_numbers<[1], [0], [0], [1], [0, 0, 1, 1], [], []>, precision = #tpu.contract_precision<fp32>, transpose_lhs_hint = false} : vector<1000x64xf32>, vector<64x2xf32>, vector<1000x2xf32> -> vector<1000x2xf32>
    %concatenate3A = tpu.concatenate %dot_general3A_20, %dot_general3A_20 in 0 : vector<1000x2xf32>, vector<1000x2xf32> -> vector<2000x2xf32>
    %add3A = arith.addf %dot_general3A_12, %concatenate3A : vector<2000x2xf32>
    %swap3A_21 = arith.constant 0 : index
    %swap3A_22 = arith.constant 0 : index
    %swap3A_23 = vector.load %arg7[%swap3A_21, %swap3A_22] : memref<2000x2xf32, #tpu.memory_space<vmem>>, vector<2000x2xf32>
    tpu.vector_store %arg7[%swap3A_21, %swap3A_22], %add3A {strides = array<i32>} : memref<2000x2xf32, #tpu.memory_space<vmem>>, vector<2000x2xf32>,
    return
  }
  func.func @transform_0(%arg0: i32) -> (i32, i32) {
    %c0_i32 = arith.constant 0 : i32
    %c0_i32_0 = arith.constant 0 : i32
    return %arg0, %c0_i32 : i32, i32
  }
  func.func @transform_1(%arg0: i32) -> (i32, i32) {
    %c0_i32 = arith.constant 0 : i32
    %c0_i32_0 = arith.constant 0 : i32
    %c0_i32_1 = arith.constant 0 : i32
    return %c0_i32, %c0_i32_0 : i32, i32
  }
  func.func @transform_2(%arg0: i32) -> (i32, i32) {
    %c0_i32 = arith.constant 0 : i32
    %c0_i32_0 = arith.constant 0 : i32
    %c0_i32_1 = arith.constant 0 : i32
    return %c0_i32, %c0_i32_0 : i32, i32
  }
  func.func @transform_3(%arg0: i32) -> (i32, i32) {
    %c0_i32 = arith.constant 0 : i32
    %c0_i32_0 = arith.constant 0 : i32
    %c0_i32_1 = arith.constant 0 : i32
    return %c0_i32, %c0_i32_0 : i32, i32
  }
  func.func @transform_4(%arg0: i32) -> (i32, i32) {
    %c0_i32 = arith.constant 0 : i32
    %c0_i32_0 = arith.constant 0 : i32
    %c0_i32_1 = arith.constant 0 : i32
    return %c0_i32, %c0_i32_0 : i32, i32
  }
  func.func @transform_5(%arg0: i32) -> (i32, i32) {
    %c0_i32 = arith.constant 0 : i32
    %c0_i32_0 = arith.constant 0 : i32
    return %arg0, %c0_i32 : i32, i32
  }
  func.func @transform_6(%arg0: i32) -> (i32, i32) {
    %c0_i32 = arith.constant 0 : i32
    %c0_i32_0 = arith.constant 0 : i32
    return %arg0, %c0_i32 : i32, i32
  }
}

module attributes {stable_mosaic.version = 14 : i64} {
  func.func @_graph_build_body(%arg0: memref<1000x64xf32, #tpu.memory_space<vmem>>, %arg1: memref<1000x32xi32, #tpu.memory_space<vmem>>) attributes {dimension_semantics = [], scalar_prefetch = 0 : i64, scratch_operands = 0 : i64, tpu.core_type = #tpu.core_type<tc>} {
    %get3A = arith.constant 0 : index
    %get3A_0 = arith.constant 0 : index
    %get3A_1 = vector.load %arg0[%get3A, %get3A_0] : memref<1000x64xf32, #tpu.memory_space<vmem>>, vector<1000x64xf32>
    %mul3A = arith.mulf %get3A_1, %get3A_1 : vector<1000x64xf32>
    %reduce_sum3A = arith.constant dense<0.000000e+00> : vector<1000xf32>
    %reduce_sum3A_2 = vector.multi_reduction <add>, %mul3A, %reduce_sum3A [1] : vector<1000x64xf32> to vector<1000xf32>
    %broadcast_in_dim3A = vector.shape_cast %reduce_sum3A_2 : vector<1000xf32> to vector<1000x1xf32>
    %mul3A_3 = arith.mulf %get3A_1, %get3A_1 : vector<1000x64xf32>
    %reduce_sum3A_4 = arith.constant dense<0.000000e+00> : vector<1000xf32>
    %reduce_sum3A_5 = vector.multi_reduction <add>, %mul3A_3, %reduce_sum3A_4 [1] : vector<1000x64xf32> to vector<1000xf32>
    %sqrt3A = math.sqrt %reduce_sum3A_5 : vector<1000xf32>
    %sqrt3A_6 = math.sqrt %broadcast_in_dim3A : vector<1000x1xf32>
    %dot_general3A = arith.constant dense<0.000000e+00> : vector<1000x1000xf32>
    %dot_general3A_7 = tpu.matmul %get3A_1, %get3A_1, %dot_general3A {dimension_numbers = #tpu.dot_dimension_numbers<[1], [1], [0], [0], [0, 0, 1, 0], [], []>, precision = #tpu.contract_precision<fp32>, transpose_lhs_hint = false} : vector<1000x64xf32>, vector<1000x64xf32>, vector<1000x1000xf32> -> vector<1000x1000xf32>
    %broadcast_in_dim3A_8 = vector.shape_cast %sqrt3A : vector<1000xf32> to vector<1x1000xf32>
    %mul3A_9 = vector.broadcast %sqrt3A_6 : vector<1000x1xf32> to vector<1000x1000xf32>
    %mul3A_10 = vector.broadcast %broadcast_in_dim3A_8 : vector<1x1000xf32> to vector<1000x1000xf32>
    %mul3A_11 = arith.mulf %mul3A_9, %mul3A_10 : vector<1000x1000xf32>
    %div3A = arith.divf %dot_general3A_7, %mul3A_11 : vector<1000x1000xf32>
    %iota3A = tpu.iota {dimensions = array<i32: 1>} : vector<1000x1000xi32>
    %reduce_max3A = arith.constant dense<0xFF800000> : vector<1000xf32>
    %reduce_max3A_12 = vector.multi_reduction <maximumf>, %div3A, %reduce_max3A [1] : vector<1000x1000xf32> to vector<1000xf32>
    %broadcast_in_dim3A_13 = vector.shape_cast %reduce_max3A_12 : vector<1000xf32> to vector<1000x1xf32>
    %eq3A = vector.broadcast %broadcast_in_dim3A_13 : vector<1000x1xf32> to vector<1000x1000xf32>
    %eq3A_14 = arith.cmpf oeq, %div3A, %eq3A : vector<1000x1000xf32>
    %jit3A = arith.constant 1001 : i32
    %broadcast_in_dim3A_15 = vector.broadcast %jit3A : i32 to vector<1000x1000xi32>
    %select_n3A = arith.select %eq3A_14, %iota3A, %broadcast_in_dim3A_15 : vector<1000x1000xi1>, vector<1000x1000xi32>
    %reduce_min3A = arith.constant dense<2147483647> : vector<1000xi32>
    %reduce_min3A_16 = vector.multi_reduction <minsi>, %select_n3A, %reduce_min3A [1] : vector<1000x1000xi32> to vector<1000xi32>
    %broadcast_in_dim3A_17 = vector.shape_cast %reduce_min3A_16 : vector<1000xi32> to vector<1000x1xi32>
    %broadcast_in_dim3A_18 = vector.shape_cast %reduce_min3A_16 : vector<1000xi32> to vector<1000x1xi32>
    %eq3A_19 = vector.broadcast %broadcast_in_dim3A_18 : vector<1000x1xi32> to vector<1000x1000xi32>
    %eq3A_20 = arith.cmpi eq, %iota3A, %eq3A_19 : vector<1000x1000xi32>
    %jit3A_21 = arith.constant 0xFF800000 : f32
    %broadcast_in_dim3A_22 = vector.broadcast %jit3A_21 : f32 to vector<1000x1000xf32>
    %select_n3A_23 = arith.select %eq3A_20, %broadcast_in_dim3A_22, %div3A : vector<1000x1000xi1>, vector<1000x1000xf32>
    %reduce_max3A_24 = arith.constant dense<0xFF800000> : vector<1000xf32>
    %reduce_max3A_25 = vector.multi_reduction <maximumf>, %select_n3A_23, %reduce_max3A_24 [1] : vector<1000x1000xf32> to vector<1000xf32>
    %broadcast_in_dim3A_26 = vector.shape_cast %reduce_max3A_25 : vector<1000xf32> to vector<1000x1xf32>
    %eq3A_27 = vector.broadcast %broadcast_in_dim3A_26 : vector<1000x1xf32> to vector<1000x1000xf32>
    %eq3A_28 = arith.cmpf oeq, %select_n3A_23, %eq3A_27 : vector<1000x1000xf32>
    %jit3A_29 = arith.constant 1001 : i32
    %broadcast_in_dim3A_30 = vector.broadcast %jit3A_29 : i32 to vector<1000x1000xi32>
    %select_n3A_31 = arith.select %eq3A_28, %iota3A, %broadcast_in_dim3A_30 : vector<1000x1000xi1>, vector<1000x1000xi32>
    %reduce_min3A_32 = arith.constant dense<2147483647> : vector<1000xi32>
    %reduce_min3A_33 = vector.multi_reduction <minsi>, %select_n3A_31, %reduce_min3A_32 [1] : vector<1000x1000xi32> to vector<1000xi32>
    %broadcast_in_dim3A_34 = vector.shape_cast %reduce_min3A_33 : vector<1000xi32> to vector<1000x1xi32>
    %broadcast_in_dim3A_35 = vector.shape_cast %reduce_min3A_33 : vector<1000xi32> to vector<1000x1xi32>
    %eq3A_36 = vector.broadcast %broadcast_in_dim3A_35 : vector<1000x1xi32> to vector<1000x1000xi32>
    %eq3A_37 = arith.cmpi eq, %iota3A, %eq3A_36 : vector<1000x1000xi32>
    %jit3A_38 = arith.constant 0xFF800000 : f32
    %broadcast_in_dim3A_39 = vector.broadcast %jit3A_38 : f32 to vector<1000x1000xf32>
    %select_n3A_40 = arith.select %eq3A_37, %broadcast_in_dim3A_39, %select_n3A_23 : vector<1000x1000xi1>, vector<1000x1000xf32>
    %reduce_max3A_41 = arith.constant dense<0xFF800000> : vector<1000xf32>
    %reduce_max3A_42 = vector.multi_reduction <maximumf>, %select_n3A_40, %reduce_max3A_41 [1] : vector<1000x1000xf32> to vector<1000xf32>
    %broadcast_in_dim3A_43 = vector.shape_cast %reduce_max3A_42 : vector<1000xf32> to vector<1000x1xf32>
    %eq3A_44 = vector.broadcast %broadcast_in_dim3A_43 : vector<1000x1xf32> to vector<1000x1000xf32>
    %eq3A_45 = arith.cmpf oeq, %select_n3A_40, %eq3A_44 : vector<1000x1000xf32>
    %jit3A_46 = arith.constant 1001 : i32
    %broadcast_in_dim3A_47 = vector.broadcast %jit3A_46 : i32 to vector<1000x1000xi32>
    %select_n3A_48 = arith.select %eq3A_45, %iota3A, %broadcast_in_dim3A_47 : vector<1000x1000xi1>, vector<1000x1000xi32>
    %reduce_min3A_49 = arith.constant dense<2147483647> : vector<1000xi32>
    %reduce_min3A_50 = vector.multi_reduction <minsi>, %select_n3A_48, %reduce_min3A_49 [1] : vector<1000x1000xi32> to vector<1000xi32>
    %broadcast_in_dim3A_51 = vector.shape_cast %reduce_min3A_50 : vector<1000xi32> to vector<1000x1xi32>
    %broadcast_in_dim3A_52 = vector.shape_cast %reduce_min3A_50 : vector<1000xi32> to vector<1000x1xi32>
    %eq3A_53 = vector.broadcast %broadcast_in_dim3A_52 : vector<1000x1xi32> to vector<1000x1000xi32>
    %eq3A_54 = arith.cmpi eq, %iota3A, %eq3A_53 : vector<1000x1000xi32>
    %jit3A_55 = arith.constant 0xFF800000 : f32
    %broadcast_in_dim3A_56 = vector.broadcast %jit3A_55 : f32 to vector<1000x1000xf32>
    %select_n3A_57 = arith.select %eq3A_54, %broadcast_in_dim3A_56, %select_n3A_40 : vector<1000x1000xi1>, vector<1000x1000xf32>
    %reduce_max3A_58 = arith.constant dense<0xFF800000> : vector<1000xf32>
    %reduce_max3A_59 = vector.multi_reduction <maximumf>, %select_n3A_57, %reduce_max3A_58 [1] : vector<1000x1000xf32> to vector<1000xf32>
    %broadcast_in_dim3A_60 = vector.shape_cast %reduce_max3A_59 : vector<1000xf32> to vector<1000x1xf32>
    %eq3A_61 = vector.broadcast %broadcast_in_dim3A_60 : vector<1000x1xf32> to vector<1000x1000xf32>
    %eq3A_62 = arith.cmpf oeq, %select_n3A_57, %eq3A_61 : vector<1000x1000xf32>
    %jit3A_63 = arith.constant 1001 : i32
    %broadcast_in_dim3A_64 = vector.broadcast %jit3A_63 : i32 to vector<1000x1000xi32>
    %select_n3A_65 = arith.select %eq3A_62, %iota3A, %broadcast_in_dim3A_64 : vector<1000x1000xi1>, vector<1000x1000xi32>
    %reduce_min3A_66 = arith.constant dense<2147483647> : vector<1000xi32>
    %reduce_min3A_67 = vector.multi_reduction <minsi>, %select_n3A_65, %reduce_min3A_66 [1] : vector<1000x1000xi32> to vector<1000xi32>
    %broadcast_in_dim3A_68 = vector.shape_cast %reduce_min3A_67 : vector<1000xi32> to vector<1000x1xi32>
    %broadcast_in_dim3A_69 = vector.shape_cast %reduce_min3A_67 : vector<1000xi32> to vector<1000x1xi32>
    %eq3A_70 = vector.broadcast %broadcast_in_dim3A_69 : vector<1000x1xi32> to vector<1000x1000xi32>
    %eq3A_71 = arith.cmpi eq, %iota3A, %eq3A_70 : vector<1000x1000xi32>
    %jit3A_72 = arith.constant 0xFF800000 : f32
    %broadcast_in_dim3A_73 = vector.broadcast %jit3A_72 : f32 to vector<1000x1000xf32>
    %select_n3A_74 = arith.select %eq3A_71, %broadcast_in_dim3A_73, %select_n3A_57 : vector<1000x1000xi1>, vector<1000x1000xf32>
    %reduce_max3A_75 = arith.constant dense<0xFF800000> : vector<1000xf32>
    %reduce_max3A_76 = vector.multi_reduction <maximumf>, %select_n3A_74, %reduce_max3A_75 [1] : vector<1000x1000xf32> to vector<1000xf32>
    %broadcast_in_dim3A_77 = vector.shape_cast %reduce_max3A_76 : vector<1000xf32> to vector<1000x1xf32>
    %eq3A_78 = vector.broadcast %broadcast_in_dim3A_77 : vector<1000x1xf32> to vector<1000x1000xf32>
    %eq3A_79 = arith.cmpf oeq, %select_n3A_74, %eq3A_78 : vector<1000x1000xf32>
    %jit3A_80 = arith.constant 1001 : i32
    %broadcast_in_dim3A_81 = vector.broadcast %jit3A_80 : i32 to vector<1000x1000xi32>
    %select_n3A_82 = arith.select %eq3A_79, %iota3A, %broadcast_in_dim3A_81 : vector<1000x1000xi1>, vector<1000x1000xi32>
    %reduce_min3A_83 = arith.constant dense<2147483647> : vector<1000xi32>
    %reduce_min3A_84 = vector.multi_reduction <minsi>, %select_n3A_82, %reduce_min3A_83 [1] : vector<1000x1000xi32> to vector<1000xi32>
    %broadcast_in_dim3A_85 = vector.shape_cast %reduce_min3A_84 : vector<1000xi32> to vector<1000x1xi32>
    %broadcast_in_dim3A_86 = vector.shape_cast %reduce_min3A_84 : vector<1000xi32> to vector<1000x1xi32>
    %eq3A_87 = vector.broadcast %broadcast_in_dim3A_86 : vector<1000x1xi32> to vector<1000x1000xi32>
    %eq3A_88 = arith.cmpi eq, %iota3A, %eq3A_87 : vector<1000x1000xi32>
    %jit3A_89 = arith.constant 0xFF800000 : f32
    %broadcast_in_dim3A_90 = vector.broadcast %jit3A_89 : f32 to vector<1000x1000xf32>
    %select_n3A_91 = arith.select %eq3A_88, %broadcast_in_dim3A_90, %select_n3A_74 : vector<1000x1000xi1>, vector<1000x1000xf32>
    %reduce_max3A_92 = arith.constant dense<0xFF800000> : vector<1000xf32>
    %reduce_max3A_93 = vector.multi_reduction <maximumf>, %select_n3A_91, %reduce_max3A_92 [1] : vector<1000x1000xf32> to vector<1000xf32>
    %broadcast_in_dim3A_94 = vector.shape_cast %reduce_max3A_93 : vector<1000xf32> to vector<1000x1xf32>
    %eq3A_95 = vector.broadcast %broadcast_in_dim3A_94 : vector<1000x1xf32> to vector<1000x1000xf32>
    %eq3A_96 = arith.cmpf oeq, %select_n3A_91, %eq3A_95 : vector<1000x1000xf32>
    %jit3A_97 = arith.constant 1001 : i32
    %broadcast_in_dim3A_98 = vector.broadcast %jit3A_97 : i32 to vector<1000x1000xi32>
    %select_n3A_99 = arith.select %eq3A_96, %iota3A, %broadcast_in_dim3A_98 : vector<1000x1000xi1>, vector<1000x1000xi32>
    %reduce_min3A_100 = arith.constant dense<2147483647> : vector<1000xi32>
    %reduce_min3A_101 = vector.multi_reduction <minsi>, %select_n3A_99, %reduce_min3A_100 [1] : vector<1000x1000xi32> to vector<1000xi32>
    %broadcast_in_dim3A_102 = vector.shape_cast %reduce_min3A_101 : vector<1000xi32> to vector<1000x1xi32>
    %broadcast_in_dim3A_103 = vector.shape_cast %reduce_min3A_101 : vector<1000xi32> to vector<1000x1xi32>
    %eq3A_104 = vector.broadcast %broadcast_in_dim3A_103 : vector<1000x1xi32> to vector<1000x1000xi32>
    %eq3A_105 = arith.cmpi eq, %iota3A, %eq3A_104 : vector<1000x1000xi32>
    %jit3A_106 = arith.constant 0xFF800000 : f32
    %broadcast_in_dim3A_107 = vector.broadcast %jit3A_106 : f32 to vector<1000x1000xf32>
    %select_n3A_108 = arith.select %eq3A_105, %broadcast_in_dim3A_107, %select_n3A_91 : vector<1000x1000xi1>, vector<1000x1000xf32>
    %reduce_max3A_109 = arith.constant dense<0xFF800000> : vector<1000xf32>
    %reduce_max3A_110 = vector.multi_reduction <maximumf>, %select_n3A_108, %reduce_max3A_109 [1] : vector<1000x1000xf32> to vector<1000xf32>
    %broadcast_in_dim3A_111 = vector.shape_cast %reduce_max3A_110 : vector<1000xf32> to vector<1000x1xf32>
    %eq3A_112 = vector.broadcast %broadcast_in_dim3A_111 : vector<1000x1xf32> to vector<1000x1000xf32>
    %eq3A_113 = arith.cmpf oeq, %select_n3A_108, %eq3A_112 : vector<1000x1000xf32>
    %jit3A_114 = arith.constant 1001 : i32
    %broadcast_in_dim3A_115 = vector.broadcast %jit3A_114 : i32 to vector<1000x1000xi32>
    %select_n3A_116 = arith.select %eq3A_113, %iota3A, %broadcast_in_dim3A_115 : vector<1000x1000xi1>, vector<1000x1000xi32>
    %reduce_min3A_117 = arith.constant dense<2147483647> : vector<1000xi32>
    %reduce_min3A_118 = vector.multi_reduction <minsi>, %select_n3A_116, %reduce_min3A_117 [1] : vector<1000x1000xi32> to vector<1000xi32>
    %broadcast_in_dim3A_119 = vector.shape_cast %reduce_min3A_118 : vector<1000xi32> to vector<1000x1xi32>
    %broadcast_in_dim3A_120 = vector.shape_cast %reduce_min3A_118 : vector<1000xi32> to vector<1000x1xi32>
    %eq3A_121 = vector.broadcast %broadcast_in_dim3A_120 : vector<1000x1xi32> to vector<1000x1000xi32>
    %eq3A_122 = arith.cmpi eq, %iota3A, %eq3A_121 : vector<1000x1000xi32>
    %jit3A_123 = arith.constant 0xFF800000 : f32
    %broadcast_in_dim3A_124 = vector.broadcast %jit3A_123 : f32 to vector<1000x1000xf32>
    %select_n3A_125 = arith.select %eq3A_122, %broadcast_in_dim3A_124, %select_n3A_108 : vector<1000x1000xi1>, vector<1000x1000xf32>
    %reduce_max3A_126 = arith.constant dense<0xFF800000> : vector<1000xf32>
    %reduce_max3A_127 = vector.multi_reduction <maximumf>, %select_n3A_125, %reduce_max3A_126 [1] : vector<1000x1000xf32> to vector<1000xf32>
    %broadcast_in_dim3A_128 = vector.shape_cast %reduce_max3A_127 : vector<1000xf32> to vector<1000x1xf32>
    %eq3A_129 = vector.broadcast %broadcast_in_dim3A_128 : vector<1000x1xf32> to vector<1000x1000xf32>
    %eq3A_130 = arith.cmpf oeq, %select_n3A_125, %eq3A_129 : vector<1000x1000xf32>
    %jit3A_131 = arith.constant 1001 : i32
    %broadcast_in_dim3A_132 = vector.broadcast %jit3A_131 : i32 to vector<1000x1000xi32>
    %select_n3A_133 = arith.select %eq3A_130, %iota3A, %broadcast_in_dim3A_132 : vector<1000x1000xi1>, vector<1000x1000xi32>
    %reduce_min3A_134 = arith.constant dense<2147483647> : vector<1000xi32>
    %reduce_min3A_135 = vector.multi_reduction <minsi>, %select_n3A_133, %reduce_min3A_134 [1] : vector<1000x1000xi32> to vector<1000xi32>
    %broadcast_in_dim3A_136 = vector.shape_cast %reduce_min3A_135 : vector<1000xi32> to vector<1000x1xi32>
    %broadcast_in_dim3A_137 = vector.shape_cast %reduce_min3A_135 : vector<1000xi32> to vector<1000x1xi32>
    %eq3A_138 = vector.broadcast %broadcast_in_dim3A_137 : vector<1000x1xi32> to vector<1000x1000xi32>
    %eq3A_139 = arith.cmpi eq, %iota3A, %eq3A_138 : vector<1000x1000xi32>
    %jit3A_140 = arith.constant 0xFF800000 : f32
    %broadcast_in_dim3A_141 = vector.broadcast %jit3A_140 : f32 to vector<1000x1000xf32>
    %select_n3A_142 = arith.select %eq3A_139, %broadcast_in_dim3A_141, %select_n3A_125 : vector<1000x1000xi1>, vector<1000x1000xf32>
    %reduce_max3A_143 = arith.constant dense<0xFF800000> : vector<1000xf32>
    %reduce_max3A_144 = vector.multi_reduction <maximumf>, %select_n3A_142, %reduce_max3A_143 [1] : vector<1000x1000xf32> to vector<1000xf32>
    %broadcast_in_dim3A_145 = vector.shape_cast %reduce_max3A_144 : vector<1000xf32> to vector<1000x1xf32>
    %eq3A_146 = vector.broadcast %broadcast_in_dim3A_145 : vector<1000x1xf32> to vector<1000x1000xf32>
    %eq3A_147 = arith.cmpf oeq, %select_n3A_142, %eq3A_146 : vector<1000x1000xf32>
    %jit3A_148 = arith.constant 1001 : i32
    %broadcast_in_dim3A_149 = vector.broadcast %jit3A_148 : i32 to vector<1000x1000xi32>
    %select_n3A_150 = arith.select %eq3A_147, %iota3A, %broadcast_in_dim3A_149 : vector<1000x1000xi1>, vector<1000x1000xi32>
    %reduce_min3A_151 = arith.constant dense<2147483647> : vector<1000xi32>
    %reduce_min3A_152 = vector.multi_reduction <minsi>, %select_n3A_150, %reduce_min3A_151 [1] : vector<1000x1000xi32> to vector<1000xi32>
    %broadcast_in_dim3A_153 = vector.shape_cast %reduce_min3A_152 : vector<1000xi32> to vector<1000x1xi32>
    %broadcast_in_dim3A_154 = vector.shape_cast %reduce_min3A_152 : vector<1000xi32> to vector<1000x1xi32>
    %eq3A_155 = vector.broadcast %broadcast_in_dim3A_154 : vector<1000x1xi32> to vector<1000x1000xi32>
    %eq3A_156 = arith.cmpi eq, %iota3A, %eq3A_155 : vector<1000x1000xi32>
    %jit3A_157 = arith.constant 0xFF800000 : f32
    %broadcast_in_dim3A_158 = vector.broadcast %jit3A_157 : f32 to vector<1000x1000xf32>
    %select_n3A_159 = arith.select %eq3A_156, %broadcast_in_dim3A_158, %select_n3A_142 : vector<1000x1000xi1>, vector<1000x1000xf32>
    %reduce_max3A_160 = arith.constant dense<0xFF800000> : vector<1000xf32>
    %reduce_max3A_161 = vector.multi_reduction <maximumf>, %select_n3A_159, %reduce_max3A_160 [1] : vector<1000x1000xf32> to vector<1000xf32>
    %broadcast_in_dim3A_162 = vector.shape_cast %reduce_max3A_161 : vector<1000xf32> to vector<1000x1xf32>
    %eq3A_163 = vector.broadcast %broadcast_in_dim3A_162 : vector<1000x1xf32> to vector<1000x1000xf32>
    %eq3A_164 = arith.cmpf oeq, %select_n3A_159, %eq3A_163 : vector<1000x1000xf32>
    %jit3A_165 = arith.constant 1001 : i32
    %broadcast_in_dim3A_166 = vector.broadcast %jit3A_165 : i32 to vector<1000x1000xi32>
    %select_n3A_167 = arith.select %eq3A_164, %iota3A, %broadcast_in_dim3A_166 : vector<1000x1000xi1>, vector<1000x1000xi32>
    %reduce_min3A_168 = arith.constant dense<2147483647> : vector<1000xi32>
    %reduce_min3A_169 = vector.multi_reduction <minsi>, %select_n3A_167, %reduce_min3A_168 [1] : vector<1000x1000xi32> to vector<1000xi32>
    %broadcast_in_dim3A_170 = vector.shape_cast %reduce_min3A_169 : vector<1000xi32> to vector<1000x1xi32>
    %broadcast_in_dim3A_171 = vector.shape_cast %reduce_min3A_169 : vector<1000xi32> to vector<1000x1xi32>
    %eq3A_172 = vector.broadcast %broadcast_in_dim3A_171 : vector<1000x1xi32> to vector<1000x1000xi32>
    %eq3A_173 = arith.cmpi eq, %iota3A, %eq3A_172 : vector<1000x1000xi32>
    %jit3A_174 = arith.constant 0xFF800000 : f32
    %broadcast_in_dim3A_175 = vector.broadcast %jit3A_174 : f32 to vector<1000x1000xf32>
    %select_n3A_176 = arith.select %eq3A_173, %broadcast_in_dim3A_175, %select_n3A_159 : vector<1000x1000xi1>, vector<1000x1000xf32>
    %reduce_max3A_177 = arith.constant dense<0xFF800000> : vector<1000xf32>
    %reduce_max3A_178 = vector.multi_reduction <maximumf>, %select_n3A_176, %reduce_max3A_177 [1] : vector<1000x1000xf32> to vector<1000xf32>
    %broadcast_in_dim3A_179 = vector.shape_cast %reduce_max3A_178 : vector<1000xf32> to vector<1000x1xf32>
    %eq3A_180 = vector.broadcast %broadcast_in_dim3A_179 : vector<1000x1xf32> to vector<1000x1000xf32>
    %eq3A_181 = arith.cmpf oeq, %select_n3A_176, %eq3A_180 : vector<1000x1000xf32>
    %jit3A_182 = arith.constant 1001 : i32
    %broadcast_in_dim3A_183 = vector.broadcast %jit3A_182 : i32 to vector<1000x1000xi32>
    %select_n3A_184 = arith.select %eq3A_181, %iota3A, %broadcast_in_dim3A_183 : vector<1000x1000xi1>, vector<1000x1000xi32>
    %reduce_min3A_185 = arith.constant dense<2147483647> : vector<1000xi32>
    %reduce_min3A_186 = vector.multi_reduction <minsi>, %select_n3A_184, %reduce_min3A_185 [1] : vector<1000x1000xi32> to vector<1000xi32>
    %broadcast_in_dim3A_187 = vector.shape_cast %reduce_min3A_186 : vector<1000xi32> to vector<1000x1xi32>
    %broadcast_in_dim3A_188 = vector.shape_cast %reduce_min3A_186 : vector<1000xi32> to vector<1000x1xi32>
    %eq3A_189 = vector.broadcast %broadcast_in_dim3A_188 : vector<1000x1xi32> to vector<1000x1000xi32>
    %eq3A_190 = arith.cmpi eq, %iota3A, %eq3A_189 : vector<1000x1000xi32>
    %jit3A_191 = arith.constant 0xFF800000 : f32
    %broadcast_in_dim3A_192 = vector.broadcast %jit3A_191 : f32 to vector<1000x1000xf32>
    %select_n3A_193 = arith.select %eq3A_190, %broadcast_in_dim3A_192, %select_n3A_176 : vector<1000x1000xi1>, vector<1000x1000xf32>
    %reduce_max3A_194 = arith.constant dense<0xFF800000> : vector<1000xf32>
    %reduce_max3A_195 = vector.multi_reduction <maximumf>, %select_n3A_193, %reduce_max3A_194 [1] : vector<1000x1000xf32> to vector<1000xf32>
    %broadcast_in_dim3A_196 = vector.shape_cast %reduce_max3A_195 : vector<1000xf32> to vector<1000x1xf32>
    %eq3A_197 = vector.broadcast %broadcast_in_dim3A_196 : vector<1000x1xf32> to vector<1000x1000xf32>
    %eq3A_198 = arith.cmpf oeq, %select_n3A_193, %eq3A_197 : vector<1000x1000xf32>
    %jit3A_199 = arith.constant 1001 : i32
    %broadcast_in_dim3A_200 = vector.broadcast %jit3A_199 : i32 to vector<1000x1000xi32>
    %select_n3A_201 = arith.select %eq3A_198, %iota3A, %broadcast_in_dim3A_200 : vector<1000x1000xi1>, vector<1000x1000xi32>
    %reduce_min3A_202 = arith.constant dense<2147483647> : vector<1000xi32>
    %reduce_min3A_203 = vector.multi_reduction <minsi>, %select_n3A_201, %reduce_min3A_202 [1] : vector<1000x1000xi32> to vector<1000xi32>
    %broadcast_in_dim3A_204 = vector.shape_cast %reduce_min3A_203 : vector<1000xi32> to vector<1000x1xi32>
    %broadcast_in_dim3A_205 = vector.shape_cast %reduce_min3A_203 : vector<1000xi32> to vector<1000x1xi32>
    %eq3A_206 = vector.broadcast %broadcast_in_dim3A_205 : vector<1000x1xi32> to vector<1000x1000xi32>
    %eq3A_207 = arith.cmpi eq, %iota3A, %eq3A_206 : vector<1000x1000xi32>
    %jit3A_208 = arith.constant 0xFF800000 : f32
    %broadcast_in_dim3A_209 = vector.broadcast %jit3A_208 : f32 to vector<1000x1000xf32>
    %select_n3A_210 = arith.select %eq3A_207, %broadcast_in_dim3A_209, %select_n3A_193 : vector<1000x1000xi1>, vector<1000x1000xf32>
    %reduce_max3A_211 = arith.constant dense<0xFF800000> : vector<1000xf32>
    %reduce_max3A_212 = vector.multi_reduction <maximumf>, %select_n3A_210, %reduce_max3A_211 [1] : vector<1000x1000xf32> to vector<1000xf32>
    %broadcast_in_dim3A_213 = vector.shape_cast %reduce_max3A_212 : vector<1000xf32> to vector<1000x1xf32>
    %eq3A_214 = vector.broadcast %broadcast_in_dim3A_213 : vector<1000x1xf32> to vector<1000x1000xf32>
    %eq3A_215 = arith.cmpf oeq, %select_n3A_210, %eq3A_214 : vector<1000x1000xf32>
    %jit3A_216 = arith.constant 1001 : i32
    %broadcast_in_dim3A_217 = vector.broadcast %jit3A_216 : i32 to vector<1000x1000xi32>
    %select_n3A_218 = arith.select %eq3A_215, %iota3A, %broadcast_in_dim3A_217 : vector<1000x1000xi1>, vector<1000x1000xi32>
    %reduce_min3A_219 = arith.constant dense<2147483647> : vector<1000xi32>
    %reduce_min3A_220 = vector.multi_reduction <minsi>, %select_n3A_218, %reduce_min3A_219 [1] : vector<1000x1000xi32> to vector<1000xi32>
    %broadcast_in_dim3A_221 = vector.shape_cast %reduce_min3A_220 : vector<1000xi32> to vector<1000x1xi32>
    %broadcast_in_dim3A_222 = vector.shape_cast %reduce_min3A_220 : vector<1000xi32> to vector<1000x1xi32>
    %eq3A_223 = vector.broadcast %broadcast_in_dim3A_222 : vector<1000x1xi32> to vector<1000x1000xi32>
    %eq3A_224 = arith.cmpi eq, %iota3A, %eq3A_223 : vector<1000x1000xi32>
    %jit3A_225 = arith.constant 0xFF800000 : f32
    %broadcast_in_dim3A_226 = vector.broadcast %jit3A_225 : f32 to vector<1000x1000xf32>
    %select_n3A_227 = arith.select %eq3A_224, %broadcast_in_dim3A_226, %select_n3A_210 : vector<1000x1000xi1>, vector<1000x1000xf32>
    %reduce_max3A_228 = arith.constant dense<0xFF800000> : vector<1000xf32>
    %reduce_max3A_229 = vector.multi_reduction <maximumf>, %select_n3A_227, %reduce_max3A_228 [1] : vector<1000x1000xf32> to vector<1000xf32>
    %broadcast_in_dim3A_230 = vector.shape_cast %reduce_max3A_229 : vector<1000xf32> to vector<1000x1xf32>
    %eq3A_231 = vector.broadcast %broadcast_in_dim3A_230 : vector<1000x1xf32> to vector<1000x1000xf32>
    %eq3A_232 = arith.cmpf oeq, %select_n3A_227, %eq3A_231 : vector<1000x1000xf32>
    %jit3A_233 = arith.constant 1001 : i32
    %broadcast_in_dim3A_234 = vector.broadcast %jit3A_233 : i32 to vector<1000x1000xi32>
    %select_n3A_235 = arith.select %eq3A_232, %iota3A, %broadcast_in_dim3A_234 : vector<1000x1000xi1>, vector<1000x1000xi32>
    %reduce_min3A_236 = arith.constant dense<2147483647> : vector<1000xi32>
    %reduce_min3A_237 = vector.multi_reduction <minsi>, %select_n3A_235, %reduce_min3A_236 [1] : vector<1000x1000xi32> to vector<1000xi32>
    %broadcast_in_dim3A_238 = vector.shape_cast %reduce_min3A_237 : vector<1000xi32> to vector<1000x1xi32>
    %broadcast_in_dim3A_239 = vector.shape_cast %reduce_min3A_237 : vector<1000xi32> to vector<1000x1xi32>
    %eq3A_240 = vector.broadcast %broadcast_in_dim3A_239 : vector<1000x1xi32> to vector<1000x1000xi32>
    %eq3A_241 = arith.cmpi eq, %iota3A, %eq3A_240 : vector<1000x1000xi32>
    %jit3A_242 = arith.constant 0xFF800000 : f32
    %broadcast_in_dim3A_243 = vector.broadcast %jit3A_242 : f32 to vector<1000x1000xf32>
    %select_n3A_244 = arith.select %eq3A_241, %broadcast_in_dim3A_243, %select_n3A_227 : vector<1000x1000xi1>, vector<1000x1000xf32>
    %reduce_max3A_245 = arith.constant dense<0xFF800000> : vector<1000xf32>
    %reduce_max3A_246 = vector.multi_reduction <maximumf>, %select_n3A_244, %reduce_max3A_245 [1] : vector<1000x1000xf32> to vector<1000xf32>
    %broadcast_in_dim3A_247 = vector.shape_cast %reduce_max3A_246 : vector<1000xf32> to vector<1000x1xf32>
    %eq3A_248 = vector.broadcast %broadcast_in_dim3A_247 : vector<1000x1xf32> to vector<1000x1000xf32>
    %eq3A_249 = arith.cmpf oeq, %select_n3A_244, %eq3A_248 : vector<1000x1000xf32>
    %jit3A_250 = arith.constant 1001 : i32
    %broadcast_in_dim3A_251 = vector.broadcast %jit3A_250 : i32 to vector<1000x1000xi32>
    %select_n3A_252 = arith.select %eq3A_249, %iota3A, %broadcast_in_dim3A_251 : vector<1000x1000xi1>, vector<1000x1000xi32>
    %reduce_min3A_253 = arith.constant dense<2147483647> : vector<1000xi32>
    %reduce_min3A_254 = vector.multi_reduction <minsi>, %select_n3A_252, %reduce_min3A_253 [1] : vector<1000x1000xi32> to vector<1000xi32>
    %broadcast_in_dim3A_255 = vector.shape_cast %reduce_min3A_254 : vector<1000xi32> to vector<1000x1xi32>
    %broadcast_in_dim3A_256 = vector.shape_cast %reduce_min3A_254 : vector<1000xi32> to vector<1000x1xi32>
    %eq3A_257 = vector.broadcast %broadcast_in_dim3A_256 : vector<1000x1xi32> to vector<1000x1000xi32>
    %eq3A_258 = arith.cmpi eq, %iota3A, %eq3A_257 : vector<1000x1000xi32>
    %jit3A_259 = arith.constant 0xFF800000 : f32
    %broadcast_in_dim3A_260 = vector.broadcast %jit3A_259 : f32 to vector<1000x1000xf32>
    %select_n3A_261 = arith.select %eq3A_258, %broadcast_in_dim3A_260, %select_n3A_244 : vector<1000x1000xi1>, vector<1000x1000xf32>
    %reduce_max3A_262 = arith.constant dense<0xFF800000> : vector<1000xf32>
    %reduce_max3A_263 = vector.multi_reduction <maximumf>, %select_n3A_261, %reduce_max3A_262 [1] : vector<1000x1000xf32> to vector<1000xf32>
    %broadcast_in_dim3A_264 = vector.shape_cast %reduce_max3A_263 : vector<1000xf32> to vector<1000x1xf32>
    %eq3A_265 = vector.broadcast %broadcast_in_dim3A_264 : vector<1000x1xf32> to vector<1000x1000xf32>
    %eq3A_266 = arith.cmpf oeq, %select_n3A_261, %eq3A_265 : vector<1000x1000xf32>
    %jit3A_267 = arith.constant 1001 : i32
    %broadcast_in_dim3A_268 = vector.broadcast %jit3A_267 : i32 to vector<1000x1000xi32>
    %select_n3A_269 = arith.select %eq3A_266, %iota3A, %broadcast_in_dim3A_268 : vector<1000x1000xi1>, vector<1000x1000xi32>
    %reduce_min3A_270 = arith.constant dense<2147483647> : vector<1000xi32>
    %reduce_min3A_271 = vector.multi_reduction <minsi>, %select_n3A_269, %reduce_min3A_270 [1] : vector<1000x1000xi32> to vector<1000xi32>
    %broadcast_in_dim3A_272 = vector.shape_cast %reduce_min3A_271 : vector<1000xi32> to vector<1000x1xi32>
    %broadcast_in_dim3A_273 = vector.shape_cast %reduce_min3A_271 : vector<1000xi32> to vector<1000x1xi32>
    %eq3A_274 = vector.broadcast %broadcast_in_dim3A_273 : vector<1000x1xi32> to vector<1000x1000xi32>
    %eq3A_275 = arith.cmpi eq, %iota3A, %eq3A_274 : vector<1000x1000xi32>
    %jit3A_276 = arith.constant 0xFF800000 : f32
    %broadcast_in_dim3A_277 = vector.broadcast %jit3A_276 : f32 to vector<1000x1000xf32>
    %select_n3A_278 = arith.select %eq3A_275, %broadcast_in_dim3A_277, %select_n3A_261 : vector<1000x1000xi1>, vector<1000x1000xf32>
    %reduce_max3A_279 = arith.constant dense<0xFF800000> : vector<1000xf32>
    %reduce_max3A_280 = vector.multi_reduction <maximumf>, %select_n3A_278, %reduce_max3A_279 [1] : vector<1000x1000xf32> to vector<1000xf32>
    %broadcast_in_dim3A_281 = vector.shape_cast %reduce_max3A_280 : vector<1000xf32> to vector<1000x1xf32>
    %eq3A_282 = vector.broadcast %broadcast_in_dim3A_281 : vector<1000x1xf32> to vector<1000x1000xf32>
    %eq3A_283 = arith.cmpf oeq, %select_n3A_278, %eq3A_282 : vector<1000x1000xf32>
    %jit3A_284 = arith.constant 1001 : i32
    %broadcast_in_dim3A_285 = vector.broadcast %jit3A_284 : i32 to vector<1000x1000xi32>
    %select_n3A_286 = arith.select %eq3A_283, %iota3A, %broadcast_in_dim3A_285 : vector<1000x1000xi1>, vector<1000x1000xi32>
    %reduce_min3A_287 = arith.constant dense<2147483647> : vector<1000xi32>
    %reduce_min3A_288 = vector.multi_reduction <minsi>, %select_n3A_286, %reduce_min3A_287 [1] : vector<1000x1000xi32> to vector<1000xi32>
    %broadcast_in_dim3A_289 = vector.shape_cast %reduce_min3A_288 : vector<1000xi32> to vector<1000x1xi32>
    %broadcast_in_dim3A_290 = vector.shape_cast %reduce_min3A_288 : vector<1000xi32> to vector<1000x1xi32>
    %eq3A_291 = vector.broadcast %broadcast_in_dim3A_290 : vector<1000x1xi32> to vector<1000x1000xi32>
    %eq3A_292 = arith.cmpi eq, %iota3A, %eq3A_291 : vector<1000x1000xi32>
    %jit3A_293 = arith.constant 0xFF800000 : f32
    %broadcast_in_dim3A_294 = vector.broadcast %jit3A_293 : f32 to vector<1000x1000xf32>
    %select_n3A_295 = arith.select %eq3A_292, %broadcast_in_dim3A_294, %select_n3A_278 : vector<1000x1000xi1>, vector<1000x1000xf32>
    %reduce_max3A_296 = arith.constant dense<0xFF800000> : vector<1000xf32>
    %reduce_max3A_297 = vector.multi_reduction <maximumf>, %select_n3A_295, %reduce_max3A_296 [1] : vector<1000x1000xf32> to vector<1000xf32>
    %broadcast_in_dim3A_298 = vector.shape_cast %reduce_max3A_297 : vector<1000xf32> to vector<1000x1xf32>
    %eq3A_299 = vector.broadcast %broadcast_in_dim3A_298 : vector<1000x1xf32> to vector<1000x1000xf32>
    %eq3A_300 = arith.cmpf oeq, %select_n3A_295, %eq3A_299 : vector<1000x1000xf32>
    %jit3A_301 = arith.constant 1001 : i32
    %broadcast_in_dim3A_302 = vector.broadcast %jit3A_301 : i32 to vector<1000x1000xi32>
    %select_n3A_303 = arith.select %eq3A_300, %iota3A, %broadcast_in_dim3A_302 : vector<1000x1000xi1>, vector<1000x1000xi32>
    %reduce_min3A_304 = arith.constant dense<2147483647> : vector<1000xi32>
    %reduce_min3A_305 = vector.multi_reduction <minsi>, %select_n3A_303, %reduce_min3A_304 [1] : vector<1000x1000xi32> to vector<1000xi32>
    %broadcast_in_dim3A_306 = vector.shape_cast %reduce_min3A_305 : vector<1000xi32> to vector<1000x1xi32>
    %broadcast_in_dim3A_307 = vector.shape_cast %reduce_min3A_305 : vector<1000xi32> to vector<1000x1xi32>
    %eq3A_308 = vector.broadcast %broadcast_in_dim3A_307 : vector<1000x1xi32> to vector<1000x1000xi32>
    %eq3A_309 = arith.cmpi eq, %iota3A, %eq3A_308 : vector<1000x1000xi32>
    %jit3A_310 = arith.constant 0xFF800000 : f32
    %broadcast_in_dim3A_311 = vector.broadcast %jit3A_310 : f32 to vector<1000x1000xf32>
    %select_n3A_312 = arith.select %eq3A_309, %broadcast_in_dim3A_311, %select_n3A_295 : vector<1000x1000xi1>, vector<1000x1000xf32>
    %reduce_max3A_313 = arith.constant dense<0xFF800000> : vector<1000xf32>
    %reduce_max3A_314 = vector.multi_reduction <maximumf>, %select_n3A_312, %reduce_max3A_313 [1] : vector<1000x1000xf32> to vector<1000xf32>
    %broadcast_in_dim3A_315 = vector.shape_cast %reduce_max3A_314 : vector<1000xf32> to vector<1000x1xf32>
    %eq3A_316 = vector.broadcast %broadcast_in_dim3A_315 : vector<1000x1xf32> to vector<1000x1000xf32>
    %eq3A_317 = arith.cmpf oeq, %select_n3A_312, %eq3A_316 : vector<1000x1000xf32>
    %jit3A_318 = arith.constant 1001 : i32
    %broadcast_in_dim3A_319 = vector.broadcast %jit3A_318 : i32 to vector<1000x1000xi32>
    %select_n3A_320 = arith.select %eq3A_317, %iota3A, %broadcast_in_dim3A_319 : vector<1000x1000xi1>, vector<1000x1000xi32>
    %reduce_min3A_321 = arith.constant dense<2147483647> : vector<1000xi32>
    %reduce_min3A_322 = vector.multi_reduction <minsi>, %select_n3A_320, %reduce_min3A_321 [1] : vector<1000x1000xi32> to vector<1000xi32>
    %broadcast_in_dim3A_323 = vector.shape_cast %reduce_min3A_322 : vector<1000xi32> to vector<1000x1xi32>
    %broadcast_in_dim3A_324 = vector.shape_cast %reduce_min3A_322 : vector<1000xi32> to vector<1000x1xi32>
    %eq3A_325 = vector.broadcast %broadcast_in_dim3A_324 : vector<1000x1xi32> to vector<1000x1000xi32>
    %eq3A_326 = arith.cmpi eq, %iota3A, %eq3A_325 : vector<1000x1000xi32>
    %jit3A_327 = arith.constant 0xFF800000 : f32
    %broadcast_in_dim3A_328 = vector.broadcast %jit3A_327 : f32 to vector<1000x1000xf32>
    %select_n3A_329 = arith.select %eq3A_326, %broadcast_in_dim3A_328, %select_n3A_312 : vector<1000x1000xi1>, vector<1000x1000xf32>
    %reduce_max3A_330 = arith.constant dense<0xFF800000> : vector<1000xf32>
    %reduce_max3A_331 = vector.multi_reduction <maximumf>, %select_n3A_329, %reduce_max3A_330 [1] : vector<1000x1000xf32> to vector<1000xf32>
    %broadcast_in_dim3A_332 = vector.shape_cast %reduce_max3A_331 : vector<1000xf32> to vector<1000x1xf32>
    %eq3A_333 = vector.broadcast %broadcast_in_dim3A_332 : vector<1000x1xf32> to vector<1000x1000xf32>
    %eq3A_334 = arith.cmpf oeq, %select_n3A_329, %eq3A_333 : vector<1000x1000xf32>
    %jit3A_335 = arith.constant 1001 : i32
    %broadcast_in_dim3A_336 = vector.broadcast %jit3A_335 : i32 to vector<1000x1000xi32>
    %select_n3A_337 = arith.select %eq3A_334, %iota3A, %broadcast_in_dim3A_336 : vector<1000x1000xi1>, vector<1000x1000xi32>
    %reduce_min3A_338 = arith.constant dense<2147483647> : vector<1000xi32>
    %reduce_min3A_339 = vector.multi_reduction <minsi>, %select_n3A_337, %reduce_min3A_338 [1] : vector<1000x1000xi32> to vector<1000xi32>
    %broadcast_in_dim3A_340 = vector.shape_cast %reduce_min3A_339 : vector<1000xi32> to vector<1000x1xi32>
    %iota3A_341 = tpu.iota {dimensions = array<i32: 0>} : vector<1000x1xi32>
    %concatenate3A = tpu.concatenate %broadcast_in_dim3A_17, %broadcast_in_dim3A_34, %broadcast_in_dim3A_51, %broadcast_in_dim3A_68, %broadcast_in_dim3A_85, %broadcast_in_dim3A_102, %broadcast_in_dim3A_119, %broadcast_in_dim3A_136, %broadcast_in_dim3A_153, %broadcast_in_dim3A_170, %broadcast_in_dim3A_187, %broadcast_in_dim3A_204, %broadcast_in_dim3A_221, %broadcast_in_dim3A_238, %broadcast_in_dim3A_255, %broadcast_in_dim3A_272, %broadcast_in_dim3A_289, %broadcast_in_dim3A_306, %broadcast_in_dim3A_323, %broadcast_in_dim3A_340, %iota3A_341, %iota3A_341, %iota3A_341, %iota3A_341, %iota3A_341, %iota3A_341, %iota3A_341, %iota3A_341, %iota3A_341, %iota3A_341, %iota3A_341, %iota3A_341 in 1 : vector<1000x1xi32>, vector<1000x1xi32>, vector<1000x1xi32>, vector<1000x1xi32>, vector<1000x1xi32>, vector<1000x1xi32>, vector<1000x1xi32>, vector<1000x1xi32>, vector<1000x1xi32>, vector<1000x1xi32>, vector<1000x1xi32>, vector<1000x1xi32>, vector<1000x1xi32>, vector<1000x1xi32>, vector<1000x1xi32>, vector<1000x1xi32>, vector<1000x1xi32>, vector<1000x1xi32>, vector<1000x1xi32>, vector<1000x1xi32>, vector<1000x1xi32>, vector<1000x1xi32>, vector<1000x1xi32>, vector<1000x1xi32>, vector<1000x1xi32>, vector<1000x1xi32>, vector<1000x1xi32>, vector<1000x1xi32>, vector<1000x1xi32>, vector<1000x1xi32>, vector<1000x1xi32>, vector<1000x1xi32> -> vector<1000x32xi32>
    %swap3A = arith.constant 0 : index
    %swap3A_342 = arith.constant 0 : index
    %swap3A_343 = vector.load %arg1[%swap3A, %swap3A_342] : memref<1000x32xi32, #tpu.memory_space<vmem>>, vector<1000x32xi32>
    tpu.vector_store %arg1[%swap3A, %swap3A_342], %concatenate3A {strides = array<i32>} : memref<1000x32xi32, #tpu.memory_space<vmem>>, vector<1000x32xi32>,
    return
  }
}

module attributes {stable_mosaic.version = 14 : i64} {
  func.func @_cnn_body(%arg0: memref<8192x4xf32, #tpu.memory_space<vmem>>, %arg1: memref<4x16xf32, #tpu.memory_space<vmem>>, %arg2: memref<1x16xf32, #tpu.memory_space<vmem>>, %arg3: memref<16x64xf32, #tpu.memory_space<vmem>>, %arg4: memref<16x64xf32, #tpu.memory_space<vmem>>, %arg5: memref<16x64xf32, #tpu.memory_space<vmem>>, %arg6: memref<16x64xf32, #tpu.memory_space<vmem>>, %arg7: memref<1x64xf32, #tpu.memory_space<vmem>>, %arg8: memref<32x64xf32, #tpu.memory_space<vmem>>) attributes {dimension_semantics = [], scalar_prefetch = 0 : i64, scratch_operands = 0 : i64, tpu.core_type = #tpu.core_type<tc>} {
    %get3A = arith.constant 0 : index
    %get3A_0 = arith.constant 0 : index
    %get3A_1 = vector.load %arg0[%get3A, %get3A_0] : memref<8192x4xf32, #tpu.memory_space<vmem>>, vector<8192x4xf32>
    %get3A_2 = arith.constant 0 : index
    %get3A_3 = arith.constant 0 : index
    %get3A_4 = vector.load %arg1[%get3A_2, %get3A_3] : memref<4x16xf32, #tpu.memory_space<vmem>>, vector<4x16xf32>
    %dot_general3A = arith.constant dense<0.000000e+00> : vector<8192x16xf32>
    %dot_general3A_5 = tpu.matmul %get3A_1, %get3A_4, %dot_general3A {dimension_numbers = #tpu.dot_dimension_numbers<[1], [0], [0], [1], [0, 0, 1, 1], [], []>, precision = #tpu.contract_precision<fp32>, transpose_lhs_hint = false} : vector<8192x4xf32>, vector<4x16xf32>, vector<8192x16xf32> -> vector<8192x16xf32>
    %get3A_6 = arith.constant 0 : index
    %get3A_7 = arith.constant 0 : index
    %get3A_8 = vector.load %arg2[%get3A_6, %get3A_7] : memref<1x16xf32, #tpu.memory_space<vmem>>, vector<1x16xf32>
    %add3A = vector.broadcast %get3A_8 : vector<1x16xf32> to vector<8192x16xf32>
    %add3A_9 = arith.addf %dot_general3A_5, %add3A : vector<8192x16xf32>
    %max3A = arith.constant 0.000000e+00 : f32
    %max3A_10 = vector.broadcast %max3A : f32 to vector<8192x16xf32>
    %max3A_11 = arith.maximumf %add3A_9, %max3A_10 : vector<8192x16xf32>
    %get3A_12 = arith.constant 0 : index
    %get3A_13 = arith.constant 0 : index
    %get3A_14 = vector.load %arg7[%get3A_12, %get3A_13] : memref<1x64xf32, #tpu.memory_space<vmem>>, vector<1x64xf32>
    %slice3A = vector.extract_strided_slice %max3A_11 {offsets = [0, 0], sizes = [512, 16], strides = [1, 1]} : vector<8192x16xf32> to vector<512x16xf32>
    %slice3A_15 = vector.extract_strided_slice %max3A_11 {offsets = [512, 0], sizes = [512, 16], strides = [1, 1]} : vector<8192x16xf32> to vector<512x16xf32>
    %slice3A_16 = vector.extract_strided_slice %max3A_11 {offsets = [2048, 0], sizes = [512, 16], strides = [1, 1]} : vector<8192x16xf32> to vector<512x16xf32>
    %slice3A_17 = vector.extract_strided_slice %max3A_11 {offsets = [2560, 0], sizes = [512, 16], strides = [1, 1]} : vector<8192x16xf32> to vector<512x16xf32>
    %max3A_18 = arith.maximumf %slice3A, %slice3A_15 : vector<512x16xf32>
    %max3A_19 = arith.maximumf %slice3A_16, %slice3A_17 : vector<512x16xf32>
    %max3A_20 = arith.maximumf %max3A_18, %max3A_19 : vector<512x16xf32>
    %get3A_21 = arith.constant 0 : index
    %get3A_22 = arith.constant 0 : index
    %get3A_23 = vector.load %arg3[%get3A_21, %get3A_22] : memref<16x64xf32, #tpu.memory_space<vmem>>, vector<16x64xf32>
    %dot_general3A_24 = arith.constant dense<0.000000e+00> : vector<512x64xf32>
    %dot_general3A_25 = tpu.matmul %max3A_20, %get3A_23, %dot_general3A_24 {dimension_numbers = #tpu.dot_dimension_numbers<[1], [0], [0], [1], [0, 0, 1, 1], [], []>, precision = #tpu.contract_precision<fp32>, transpose_lhs_hint = false} : vector<512x16xf32>, vector<16x64xf32>, vector<512x64xf32> -> vector<512x64xf32>
    %add3A_26 = vector.broadcast %get3A_14 : vector<1x64xf32> to vector<512x64xf32>
    %add3A_27 = arith.addf %add3A_26, %dot_general3A_25 : vector<512x64xf32>
    %slice3A_28 = vector.extract_strided_slice %max3A_11 {offsets = [1024, 0], sizes = [512, 16], strides = [1, 1]} : vector<8192x16xf32> to vector<512x16xf32>
    %slice3A_29 = vector.extract_strided_slice %max3A_11 {offsets = [1536, 0], sizes = [512, 16], strides = [1, 1]} : vector<8192x16xf32> to vector<512x16xf32>
    %slice3A_30 = vector.extract_strided_slice %max3A_11 {offsets = [3072, 0], sizes = [512, 16], strides = [1, 1]} : vector<8192x16xf32> to vector<512x16xf32>
    %slice3A_31 = vector.extract_strided_slice %max3A_11 {offsets = [3584, 0], sizes = [512, 16], strides = [1, 1]} : vector<8192x16xf32> to vector<512x16xf32>
    %max3A_32 = arith.maximumf %slice3A_28, %slice3A_29 : vector<512x16xf32>
    %max3A_33 = arith.maximumf %slice3A_30, %slice3A_31 : vector<512x16xf32>
    %max3A_34 = arith.maximumf %max3A_32, %max3A_33 : vector<512x16xf32>
    %get3A_35 = arith.constant 0 : index
    %get3A_36 = arith.constant 0 : index
    %get3A_37 = vector.load %arg4[%get3A_35, %get3A_36] : memref<16x64xf32, #tpu.memory_space<vmem>>, vector<16x64xf32>
    %dot_general3A_38 = arith.constant dense<0.000000e+00> : vector<512x64xf32>
    %dot_general3A_39 = tpu.matmul %max3A_34, %get3A_37, %dot_general3A_38 {dimension_numbers = #tpu.dot_dimension_numbers<[1], [0], [0], [1], [0, 0, 1, 1], [], []>, precision = #tpu.contract_precision<fp32>, transpose_lhs_hint = false} : vector<512x16xf32>, vector<16x64xf32>, vector<512x64xf32> -> vector<512x64xf32>
    %add3A_40 = arith.addf %add3A_27, %dot_general3A_39 : vector<512x64xf32>
    %slice3A_41 = vector.extract_strided_slice %max3A_11 {offsets = [4096, 0], sizes = [512, 16], strides = [1, 1]} : vector<8192x16xf32> to vector<512x16xf32>
    %slice3A_42 = vector.extract_strided_slice %max3A_11 {offsets = [4608, 0], sizes = [512, 16], strides = [1, 1]} : vector<8192x16xf32> to vector<512x16xf32>
    %slice3A_43 = vector.extract_strided_slice %max3A_11 {offsets = [6144, 0], sizes = [512, 16], strides = [1, 1]} : vector<8192x16xf32> to vector<512x16xf32>
    %slice3A_44 = vector.extract_strided_slice %max3A_11 {offsets = [6656, 0], sizes = [512, 16], strides = [1, 1]} : vector<8192x16xf32> to vector<512x16xf32>
    %max3A_45 = arith.maximumf %slice3A_41, %slice3A_42 : vector<512x16xf32>
    %max3A_46 = arith.maximumf %slice3A_43, %slice3A_44 : vector<512x16xf32>
    %max3A_47 = arith.maximumf %max3A_45, %max3A_46 : vector<512x16xf32>
    %get3A_48 = arith.constant 0 : index
    %get3A_49 = arith.constant 0 : index
    %get3A_50 = vector.load %arg5[%get3A_48, %get3A_49] : memref<16x64xf32, #tpu.memory_space<vmem>>, vector<16x64xf32>
    %dot_general3A_51 = arith.constant dense<0.000000e+00> : vector<512x64xf32>
    %dot_general3A_52 = tpu.matmul %max3A_47, %get3A_50, %dot_general3A_51 {dimension_numbers = #tpu.dot_dimension_numbers<[1], [0], [0], [1], [0, 0, 1, 1], [], []>, precision = #tpu.contract_precision<fp32>, transpose_lhs_hint = false} : vector<512x16xf32>, vector<16x64xf32>, vector<512x64xf32> -> vector<512x64xf32>
    %add3A_53 = arith.addf %add3A_40, %dot_general3A_52 : vector<512x64xf32>
    %slice3A_54 = vector.extract_strided_slice %max3A_11 {offsets = [5120, 0], sizes = [512, 16], strides = [1, 1]} : vector<8192x16xf32> to vector<512x16xf32>
    %slice3A_55 = vector.extract_strided_slice %max3A_11 {offsets = [5632, 0], sizes = [512, 16], strides = [1, 1]} : vector<8192x16xf32> to vector<512x16xf32>
    %slice3A_56 = vector.extract_strided_slice %max3A_11 {offsets = [7168, 0], sizes = [512, 16], strides = [1, 1]} : vector<8192x16xf32> to vector<512x16xf32>
    %slice3A_57 = vector.extract_strided_slice %max3A_11 {offsets = [7680, 0], sizes = [512, 16], strides = [1, 1]} : vector<8192x16xf32> to vector<512x16xf32>
    %max3A_58 = arith.maximumf %slice3A_54, %slice3A_55 : vector<512x16xf32>
    %max3A_59 = arith.maximumf %slice3A_56, %slice3A_57 : vector<512x16xf32>
    %max3A_60 = arith.maximumf %max3A_58, %max3A_59 : vector<512x16xf32>
    %get3A_61 = arith.constant 0 : index
    %get3A_62 = arith.constant 0 : index
    %get3A_63 = vector.load %arg6[%get3A_61, %get3A_62] : memref<16x64xf32, #tpu.memory_space<vmem>>, vector<16x64xf32>
    %dot_general3A_64 = arith.constant dense<0.000000e+00> : vector<512x64xf32>
    %dot_general3A_65 = tpu.matmul %max3A_60, %get3A_63, %dot_general3A_64 {dimension_numbers = #tpu.dot_dimension_numbers<[1], [0], [0], [1], [0, 0, 1, 1], [], []>, precision = #tpu.contract_precision<fp32>, transpose_lhs_hint = false} : vector<512x16xf32>, vector<16x64xf32>, vector<512x64xf32> -> vector<512x64xf32>
    %add3A_66 = arith.addf %add3A_53, %dot_general3A_65 : vector<512x64xf32>
    %max3A_67 = arith.constant 0.000000e+00 : f32
    %max3A_68 = vector.broadcast %max3A_67 : f32 to vector<512x64xf32>
    %max3A_69 = arith.maximumf %add3A_66, %max3A_68 : vector<512x64xf32>
    %reshape3A = vector.shape_cast %max3A_69 : vector<512x64xf32> to vector<32x16x64xf32>
    %reduce_max3A = arith.constant dense<0xFF800000> : vector<32x64xf32>
    %reduce_max3A_70 = vector.multi_reduction <maximumf>, %reshape3A, %reduce_max3A [1] : vector<32x16x64xf32> to vector<32x64xf32>
    %swap3A = arith.constant 0 : index
    %swap3A_71 = arith.constant 0 : index
    %swap3A_72 = vector.load %arg8[%swap3A, %swap3A_71] : memref<32x64xf32, #tpu.memory_space<vmem>>, vector<32x64xf32>
    tpu.vector_store %arg8[%swap3A, %swap3A_71], %reduce_max3A_70 {strides = array<i32>} : memref<32x64xf32, #tpu.memory_space<vmem>>, vector<32x64xf32>,
    return
  }
}

module attributes {stable_mosaic.version = 14 : i64} {
  func.func @_post_body(%arg0: memref<32000x64xf32, #tpu.memory_space<vmem>>, %arg1: memref<32x64xf32, #tpu.memory_space<vmem>>, %arg2: memref<1000x64xf32, #tpu.memory_space<vmem>>, %arg3: memref<1x64xf32, #tpu.memory_space<vmem>>, %arg4: memref<1x64xf32, #tpu.memory_space<vmem>>, %arg5: memref<1x64xf32, #tpu.memory_space<vmem>>, %arg6: memref<1x64xf32, #tpu.memory_space<vmem>>, %arg7: memref<1x64xf32, #tpu.memory_space<vmem>>, %arg8: memref<1x1xf32, #tpu.memory_space<vmem>>, %arg9: memref<32000x1xf32, #tpu.memory_space<vmem>>) attributes {dimension_semantics = [], scalar_prefetch = 0 : i64, scratch_operands = 0 : i64, tpu.core_type = #tpu.core_type<tc>} {
    %get3A = arith.constant 0 : index
    %get3A_0 = arith.constant 0 : index
    %get3A_1 = vector.load %arg1[%get3A, %get3A_0] : memref<32x64xf32, #tpu.memory_space<vmem>>, vector<32x64xf32>
    %reduce_sum3A = arith.constant dense<0.000000e+00> : vector<64xf32>
    %reduce_sum3A_2 = vector.multi_reduction <add>, %get3A_1, %reduce_sum3A [0] : vector<32x64xf32> to vector<64xf32>
    %broadcast_in_dim3A = vector.shape_cast %reduce_sum3A_2 : vector<64xf32> to vector<1x64xf32>
    %div3A = arith.constant 3.200000e+01 : f32
    %div3A_3 = vector.broadcast %div3A : f32 to vector<1x64xf32>
    %div3A_4 = arith.divf %broadcast_in_dim3A, %div3A_3 : vector<1x64xf32>
    %sub3A = vector.broadcast %div3A_4 : vector<1x64xf32> to vector<32x64xf32>
    %sub3A_5 = arith.subf %get3A_1, %sub3A : vector<32x64xf32>
    %sub3A_6 = vector.broadcast %div3A_4 : vector<1x64xf32> to vector<32x64xf32>
    %sub3A_7 = arith.subf %get3A_1, %sub3A_6 : vector<32x64xf32>
    %mul3A = arith.mulf %sub3A_5, %sub3A_7 : vector<32x64xf32>
    %reduce_sum3A_8 = arith.constant dense<0.000000e+00> : vector<64xf32>
    %reduce_sum3A_9 = vector.multi_reduction <add>, %mul3A, %reduce_sum3A_8 [0] : vector<32x64xf32> to vector<64xf32>
    %broadcast_in_dim3A_10 = vector.shape_cast %reduce_sum3A_9 : vector<64xf32> to vector<1x64xf32>
    %div3A_11 = arith.constant 3.200000e+01 : f32
    %div3A_12 = vector.broadcast %div3A_11 : f32 to vector<1x64xf32>
    %div3A_13 = arith.divf %broadcast_in_dim3A_10, %div3A_12 : vector<1x64xf32>
    %sub3A_14 = vector.broadcast %div3A_4 : vector<1x64xf32> to vector<32x64xf32>
    %sub3A_15 = arith.subf %get3A_1, %sub3A_14 : vector<32x64xf32>
    %add3A = arith.constant 9.99999974E-6 : f32
    %add3A_16 = vector.broadcast %add3A : f32 to vector<1x64xf32>
    %add3A_17 = arith.addf %div3A_13, %add3A_16 : vector<1x64xf32>
    %sqrt3A = math.sqrt %add3A_17 : vector<1x64xf32>
    %div3A_18 = vector.broadcast %sqrt3A : vector<1x64xf32> to vector<32x64xf32>
    %div3A_19 = arith.divf %sub3A_15, %div3A_18 : vector<32x64xf32>
    %get3A_20 = arith.constant 0 : index
    %get3A_21 = arith.constant 0 : index
    %get3A_22 = vector.load %arg3[%get3A_20, %get3A_21] : memref<1x64xf32, #tpu.memory_space<vmem>>, vector<1x64xf32>
    %mul3A_23 = vector.broadcast %get3A_22 : vector<1x64xf32> to vector<32x64xf32>
    %mul3A_24 = arith.mulf %div3A_19, %mul3A_23 : vector<32x64xf32>
    %get3A_25 = arith.constant 0 : index
    %get3A_26 = arith.constant 0 : index
    %get3A_27 = vector.load %arg4[%get3A_25, %get3A_26] : memref<1x64xf32, #tpu.memory_space<vmem>>, vector<1x64xf32>
    %add3A_28 = vector.broadcast %get3A_27 : vector<1x64xf32> to vector<32x64xf32>
    %add3A_29 = arith.addf %mul3A_24, %add3A_28 : vector<32x64xf32>
    %get3A_30 = arith.constant 0 : index
    %get3A_31 = arith.constant 0 : index
    %get3A_32 = vector.load %arg0[%get3A_30, %get3A_31] : memref<32000x64xf32, #tpu.memory_space<vmem>>, vector<32000x64xf32>
    %reduce_sum3A_33 = arith.constant dense<0.000000e+00> : vector<64xf32>
    %reduce_sum3A_34 = vector.multi_reduction <add>, %get3A_32, %reduce_sum3A_33 [0] : vector<32000x64xf32> to vector<64xf32>
    %broadcast_in_dim3A_35 = vector.shape_cast %reduce_sum3A_34 : vector<64xf32> to vector<1x64xf32>
    %div3A_36 = arith.constant 3.200000e+04 : f32
    %div3A_37 = vector.broadcast %div3A_36 : f32 to vector<1x64xf32>
    %div3A_38 = arith.divf %broadcast_in_dim3A_35, %div3A_37 : vector<1x64xf32>
    %sub3A_39 = vector.broadcast %div3A_38 : vector<1x64xf32> to vector<32000x64xf32>
    %sub3A_40 = arith.subf %get3A_32, %sub3A_39 : vector<32000x64xf32>
    %sub3A_41 = vector.broadcast %div3A_38 : vector<1x64xf32> to vector<32000x64xf32>
    %sub3A_42 = arith.subf %get3A_32, %sub3A_41 : vector<32000x64xf32>
    %mul3A_43 = arith.mulf %sub3A_40, %sub3A_42 : vector<32000x64xf32>
    %reduce_sum3A_44 = arith.constant dense<0.000000e+00> : vector<64xf32>
    %reduce_sum3A_45 = vector.multi_reduction <add>, %mul3A_43, %reduce_sum3A_44 [0] : vector<32000x64xf32> to vector<64xf32>
    %broadcast_in_dim3A_46 = vector.shape_cast %reduce_sum3A_45 : vector<64xf32> to vector<1x64xf32>
    %div3A_47 = arith.constant 3.200000e+04 : f32
    %div3A_48 = vector.broadcast %div3A_47 : f32 to vector<1x64xf32>
    %div3A_49 = arith.divf %broadcast_in_dim3A_46, %div3A_48 : vector<1x64xf32>
    %sub3A_50 = vector.broadcast %div3A_38 : vector<1x64xf32> to vector<32000x64xf32>
    %sub3A_51 = arith.subf %get3A_32, %sub3A_50 : vector<32000x64xf32>
    %add3A_52 = arith.constant 9.99999974E-6 : f32
    %add3A_53 = vector.broadcast %add3A_52 : f32 to vector<1x64xf32>
    %add3A_54 = arith.addf %div3A_49, %add3A_53 : vector<1x64xf32>
    %sqrt3A_55 = math.sqrt %add3A_54 : vector<1x64xf32>
    %div3A_56 = vector.broadcast %sqrt3A_55 : vector<1x64xf32> to vector<32000x64xf32>
    %div3A_57 = arith.divf %sub3A_51, %div3A_56 : vector<32000x64xf32>
    %get3A_58 = arith.constant 0 : index
    %get3A_59 = arith.constant 0 : index
    %get3A_60 = vector.load %arg3[%get3A_58, %get3A_59] : memref<1x64xf32, #tpu.memory_space<vmem>>, vector<1x64xf32>
    %mul3A_61 = vector.broadcast %get3A_60 : vector<1x64xf32> to vector<32000x64xf32>
    %mul3A_62 = arith.mulf %div3A_57, %mul3A_61 : vector<32000x64xf32>
    %get3A_63 = arith.constant 0 : index
    %get3A_64 = arith.constant 0 : index
    %get3A_65 = vector.load %arg4[%get3A_63, %get3A_64] : memref<1x64xf32, #tpu.memory_space<vmem>>, vector<1x64xf32>
    %add3A_66 = vector.broadcast %get3A_65 : vector<1x64xf32> to vector<32000x64xf32>
    %add3A_67 = arith.addf %mul3A_62, %add3A_66 : vector<32000x64xf32>
    %broadcast_in_dim3A_68 = vector.shape_cast %add3A_29 : vector<32x64xf32> to vector<1x32x64xf32>
    %broadcast_in_dim3A_69 = vector.shape_cast %broadcast_in_dim3A_68 : vector<1x32x64xf32> to vector<1x32x64xf32>
    %broadcast_in_dim3A_70 = vector.broadcast %broadcast_in_dim3A_69 : vector<1x32x64xf32> to vector<1000x32x64xf32>
    %reshape3A = vector.shape_cast %broadcast_in_dim3A_70 : vector<1000x32x64xf32> to vector<32000x64xf32>
    %get3A_71 = arith.constant 0 : index
    %get3A_72 = arith.constant 0 : index
    %get3A_73 = vector.load %arg2[%get3A_71, %get3A_72] : memref<1000x64xf32, #tpu.memory_space<vmem>>, vector<1000x64xf32>
    %broadcast_in_dim3A_74 = vector.shape_cast %get3A_73 : vector<1000x64xf32> to vector<1x1000x64xf32>
    %broadcast_in_dim3A_75 = vector.shape_cast %broadcast_in_dim3A_74 : vector<1x1000x64xf32> to vector<1x1000x64xf32>
    %broadcast_in_dim3A_76 = vector.broadcast %broadcast_in_dim3A_75 : vector<1x1000x64xf32> to vector<32x1000x64xf32>
    %reshape3A_77 = vector.shape_cast %broadcast_in_dim3A_76 : vector<32x1000x64xf32> to vector<32000x64xf32>
    %mul3A_78 = arith.mulf %add3A_67, %reshape3A : vector<32000x64xf32>
    %max3A = arith.constant 0.000000e+00 : f32
    %max3A_79 = vector.broadcast %max3A : f32 to vector<32000x64xf32>
    %max3A_80 = arith.maximumf %mul3A_78, %max3A_79 : vector<32000x64xf32>
    %mul3A_81 = arith.mulf %max3A_80, %reshape3A_77 : vector<32000x64xf32>
    %reduce_sum3A_82 = arith.constant dense<0.000000e+00> : vector<64xf32>
    %reduce_sum3A_83 = vector.multi_reduction <add>, %mul3A_81, %reduce_sum3A_82 [0] : vector<32000x64xf32> to vector<64xf32>
    %broadcast_in_dim3A_84 = vector.shape_cast %reduce_sum3A_83 : vector<64xf32> to vector<1x64xf32>
    %div3A_85 = arith.constant 3.200000e+04 : f32
    %div3A_86 = vector.broadcast %div3A_85 : f32 to vector<1x64xf32>
    %div3A_87 = arith.divf %broadcast_in_dim3A_84, %div3A_86 : vector<1x64xf32>
    %sub3A_88 = vector.broadcast %div3A_87 : vector<1x64xf32> to vector<32000x64xf32>
    %sub3A_89 = arith.subf %mul3A_81, %sub3A_88 : vector<32000x64xf32>
    %sub3A_90 = vector.broadcast %div3A_87 : vector<1x64xf32> to vector<32000x64xf32>
    %sub3A_91 = arith.subf %mul3A_81, %sub3A_90 : vector<32000x64xf32>
    %mul3A_92 = arith.mulf %sub3A_89, %sub3A_91 : vector<32000x64xf32>
    %reduce_sum3A_93 = arith.constant dense<0.000000e+00> : vector<64xf32>
    %reduce_sum3A_94 = vector.multi_reduction <add>, %mul3A_92, %reduce_sum3A_93 [0] : vector<32000x64xf32> to vector<64xf32>
    %broadcast_in_dim3A_95 = vector.shape_cast %reduce_sum3A_94 : vector<64xf32> to vector<1x64xf32>
    %div3A_96 = arith.constant 3.200000e+04 : f32
    %div3A_97 = vector.broadcast %div3A_96 : f32 to vector<1x64xf32>
    %div3A_98 = arith.divf %broadcast_in_dim3A_95, %div3A_97 : vector<1x64xf32>
    %sub3A_99 = vector.broadcast %div3A_87 : vector<1x64xf32> to vector<32000x64xf32>
    %sub3A_100 = arith.subf %mul3A_81, %sub3A_99 : vector<32000x64xf32>
    %add3A_101 = arith.constant 9.99999974E-6 : f32
    %add3A_102 = vector.broadcast %add3A_101 : f32 to vector<1x64xf32>
    %add3A_103 = arith.addf %div3A_98, %add3A_102 : vector<1x64xf32>
    %sqrt3A_104 = math.sqrt %add3A_103 : vector<1x64xf32>
    %div3A_105 = vector.broadcast %sqrt3A_104 : vector<1x64xf32> to vector<32000x64xf32>
    %div3A_106 = arith.divf %sub3A_100, %div3A_105 : vector<32000x64xf32>
    %get3A_107 = arith.constant 0 : index
    %get3A_108 = arith.constant 0 : index
    %get3A_109 = vector.load %arg5[%get3A_107, %get3A_108] : memref<1x64xf32, #tpu.memory_space<vmem>>, vector<1x64xf32>
    %mul3A_110 = vector.broadcast %get3A_109 : vector<1x64xf32> to vector<32000x64xf32>
    %mul3A_111 = arith.mulf %div3A_106, %mul3A_110 : vector<32000x64xf32>
    %get3A_112 = arith.constant 0 : index
    %get3A_113 = arith.constant 0 : index
    %get3A_114 = vector.load %arg6[%get3A_112, %get3A_113] : memref<1x64xf32, #tpu.memory_space<vmem>>, vector<1x64xf32>
    %add3A_115 = vector.broadcast %get3A_114 : vector<1x64xf32> to vector<32000x64xf32>
    %add3A_116 = arith.addf %mul3A_111, %add3A_115 : vector<32000x64xf32>
    %max3A_117 = arith.constant 0.000000e+00 : f32
    %max3A_118 = vector.broadcast %max3A_117 : f32 to vector<32000x64xf32>
    %max3A_119 = arith.maximumf %add3A_116, %max3A_118 : vector<32000x64xf32>
    %get3A_120 = arith.constant 0 : index
    %get3A_121 = arith.constant 0 : index
    %get3A_122 = vector.load %arg7[%get3A_120, %get3A_121] : memref<1x64xf32, #tpu.memory_space<vmem>>, vector<1x64xf32>
    %mul3A_123 = vector.broadcast %get3A_122 : vector<1x64xf32> to vector<32000x64xf32>
    %mul3A_124 = arith.mulf %max3A_119, %mul3A_123 : vector<32000x64xf32>
    %reduce_sum3A_125 = arith.constant dense<0.000000e+00> : vector<32000xf32>
    %reduce_sum3A_126 = vector.multi_reduction <add>, %mul3A_124, %reduce_sum3A_125 [1] : vector<32000x64xf32> to vector<32000xf32>
    %broadcast_in_dim3A_127 = vector.shape_cast %reduce_sum3A_126 : vector<32000xf32> to vector<32000x1xf32>
    %get3A_128 = arith.constant 0 : index
    %get3A_129 = arith.constant 0 : index
    %get3A_130 = vector.load %arg8[%get3A_128, %get3A_129] : memref<1x1xf32, #tpu.memory_space<vmem>>, vector<1x1xf32>
    %add3A_131 = vector.broadcast %get3A_130 : vector<1x1xf32> to vector<32000x1xf32>
    %add3A_132 = arith.addf %broadcast_in_dim3A_127, %add3A_131 : vector<32000x1xf32>
    %swap3A = arith.constant 0 : index
    %swap3A_133 = arith.constant 0 : index
    %swap3A_134 = vector.load %arg9[%swap3A, %swap3A_133] : memref<32000x1xf32, #tpu.memory_space<vmem>>, vector<32000x1xf32>
    tpu.vector_store %arg9[%swap3A, %swap3A_133], %add3A_132 {strides = array<i32>} : memref<32000x1xf32, #tpu.memory_space<vmem>>, vector<32000x1xf32>,
    return
  }
}

</mosaic_0001>

<sc_bundles>
// kernel: kernel.7.cloned.1.call-start
scs
__scs_entry_jumppad:
0x0: {  	(pc) =	sbr.rel $0x88, $3  }
0x1: {  	(tag) =	ssettag $0x0;
	lr =	simm.s32 $0x1  }
0x2: {  	[smem:$0x3F8F] =	sst lr;
	_ =	strace $0xD0000000  }
0x3: {  	_ = 	snop  }
0x4: {  	_ = 	snop  }
0x5: {  	_ = 	snop  }
0x6: {  	_ = 	snop  }
0x7: {  	_ = 	snop  }
__scs_overlays_trampoline_lowered:
0x8: {  	[smem:$0x3F9E] =	sst s0  }
0x9: {  	[smem:$0x3F9F] =	sst s1  }
0xa: {  	[smem:$0x3FA0] =	sst s2  }
0xb: {  	[smem:$0x3FA1] =	sst s3  }
0xc: {  	[smem:$0x3FA2] =	sst s4  }
0xd: {  	[smem:$0x3FA3] =	sst s5  }
0xe: {  	[smem:$0x3FA4] =	sst s6  }
0xf: {  	[smem:$0x3FA5] =	sst s7  }
0x10: {  	[smem:$0x3FA6] =	sst s8  }
0x11: {  	[smem:$0x3FA7] =	sst s9;
	s0 =	simm.s32 @!p0 $0x0  }
0x12: {  	s1 =	sld [smem:$0x3F8D];
	s0 =	simm.s32 @p0 $0x1  }
0x13: {  	[smem:$0x3FA8] =	sst s0;
	s0 =	simm.s32 @!p1 $0x0  }
0x14: {  	s2 =	sld [smem:$0x3F8C];
	s0 =	simm.s32 @p1 $0x1  }
0x15: {  	[smem:$0x3FA9] =	sst s0;
	s0 =	simm.s32 @!p2 $0x0  }
0x16: {  	s3 =	sld [smem:$0x3FDB];
	s0 =	simm.s32 @p2 $0x1  }
0x17: {  	s4 =	simm.s32 $0x1BF5;
	[smem:$0x3FAB] =	sst s0  }
0x18: {  	s0 =	sld [smem:$0x3F8E];
	_ =	swait.ge [sflag:s4], $0x0  }
0x19: {  	s7 =	sld [smem:$0x3F8F]  }
0x1a: {  	s8 =	sadd.s32 $0xFFFFE003, lr  }
0x1b: {  	s9 =	sadd.s32 $0xFFFFFEF7, lr;
	s5 =	simm.s32 $0xFFFFFFFF;
	p2 =	slt.u32 s8, $0xFFFFF086  }
0x1c: {  	p1 =	slt.u32 s9, $0xF7A;
	s5 =	simm.s32 @!p2 $0x0  }
0x1d: {  	s5 =	simm.s32 @p1 $0x1;
	p0 =	seq.s32 s7, s2  }
0x1e: {  	s7 =	smul.u32 @!p0 $0xF7A, s2;
	p2 =	seq.s32 @!p0 s5, $0x0  }
0x1f: {  	s9 =	smul.u32 $0xF7A, s1;
	s8 =	simm.s32 @!p0 $0x1BF5;
	p2 =	por !p2, p0  }
0x20: {  	[sflag:s8] =	ssyncset.s32 @!p0 $0xFFFFF086;
	s6 =	sadd.s32 @!p0 s3, s7;
	s7 =	simm.s32 @!p0 $0x108  }
0x21: {  	s3 =	sadd.s32 s3, s9;
	s6 =	sadd.s32 @!p0 $0x88, s6;
	s7 =	simm.s32 @p2 $0x1082  }
0x22: {  	[simem:s7], [sflag:s8] =	dma.local @!p0 [hbm:s6], $0xF7A  }
0x23: {  	s9 =	sor.u32 $0xD0000000, s2;
	s6 =	simm.s32 $0x108;
	_ =	swait.ge @!p0 [sflag:s8], $0x0  }
0x24: {  	s3 =	sadd.s32 $0x88, s3;
	s6 =	simm.s32 @!p1 $0x1082;
	[sflag:s4] =	ssyncset.s32 $0xFFFFF086  }
0x25: {  	[simem:s6], [sflag:s4] =	dma.local [hbm:s3], $0xF7A  }
0x26: {  	[smem:$0x3F8F] =	sst s1;
	(tag) =	ssettag s2;
	_ =	strace s9  }
0x27: {  	s1 =	sld [smem:$0x3F9F]  }
0x28: {  	s2 =	sld [smem:$0x3FA0]  }
0x29: {  	s4 =	sld [smem:$0x3FA2]  }
0x2a: {  	p0 =	seq.s32 s5, $0x0;
	s5 =	sld [smem:$0x3FA3]  }
0x2b: {  	s6 =	sld [smem:$0x3FA4]  }
0x2c: {  	s7 =	sld [smem:$0x3FA5]  }
0x2d: {  	s3 =	simm.s32 $0x108;
	s8 =	sld [smem:$0x3FA6]  }
0x2e: {  	s3 =	simm.s32 @!p0 $0x1082;
	s9 =	sld [smem:$0x3FA7]  }
0x2f: {  	lr =	sadd.s32 s0, s3;
	s0 =	sld [smem:$0x3F9E]  }
0x30: {  	s3 =	sld [smem:$0x3FA1]  }
0x31: {  	[smem:$0x3FAA] =	sst s10  }
0x32: {  	s10 =	sld [smem:$0x3FA8];
	_ =	sdelay $0x3  }
0x33: {  	p0 =	seq.s32 s10, $0x1;
	s10 =	sld [smem:$0x3FAA];
	_ =	sdelay $0x3  }
0x34: {  	[smem:$0x3FAA] =	sst s10  }
0x35: {  	s10 =	sld [smem:$0x3FA9];
	_ =	sdelay $0x3  }
0x36: {  	p1 =	seq.s32 s10, $0x1;
	s10 =	sld [smem:$0x3FAA];
	_ =	sdelay $0x3  }
0x37: {  	[smem:$0x3FAA] =	sst s10  }
0x38: {  	s10 =	sld [smem:$0x3FAB]  }
0x39: {  	_ = 	snop;
	(pc) =	sbr.ind lr, $3  }
0x3a: {  	_ = 	snop  }
0x3b: {  	_ = 	snop  }
0x3c: {  	p2 =	seq.s32 s10, $0x1;
	s10 =	sld [smem:$0x3FAA]  }
0x3d: {  	_ =	shalt  }
0x3e: {  	_ =	shalt  }
0x3f: {  	_ =	shalt  }
0x40: {  	_ =	shalt  }
0x41: {  	_ =	shalt  }
0x42: {  	_ =	shalt  }
0x43: {  	_ =	shalt  }
0x44: {  	_ =	shalt  }
0x45: {  	_ =	shalt  }
0x46: {  	_ =	shalt  }
0x47: {  	_ =	shalt  }
0x48: {  	_ =	shalt  }
0x49: {  	_ =	shalt  }
0x4a: {  	_ =	shalt  }
0x4b: {  	_ =	shalt  }
0x4c: {  	_ =	shalt  }
0x4d: {  	_ =	shalt  }
0x4e: {  	_ =	shalt  }
0x4f: {  	_ =	shalt  }
0x50: {  	_ =	shalt  }
0x51: {  	_ =	shalt  }
0x52: {  	_ =	shalt  }
0x53: {  	_ =	shalt  }
0x54: {  	_ =	shalt  }
0x55: {  	_ =	shalt  }
0x56: {  	_ =	shalt  }
0x57: {  	_ =	shalt  }
0x58: {  	_ =	shalt  }
0x59: {  	_ =	shalt  }
0x5a: {  	_ =	shalt  }
0x5b: {  	_ =	shalt  }
0x5c: {  	_ =	shalt  }
0x5d: {  	_ =	shalt  }
0x5e: {  	_ =	shalt  }
0x5f: {  	_ =	shalt  }
0x60: {  	_ =	shalt  }
0x61: {  	_ =	shalt  }
0x62: {  	_ =	shalt  }
0x63: {  	_ =	shalt  }
0x64: {  	_ =	shalt  }
0x65: {  	_ =	shalt  }
0x66: {  	_ =	shalt  }
0x67: {  	_ =	shalt  }
0x68: {  	_ =	shalt  }
0x69: {  	_ =	shalt  }
0x6a: {  	_ =	shalt  }
0x6b: {  	_ =	shalt  }
0x6c: {  	_ =	shalt  }
0x6d: {  	_ =	shalt  }
0x6e: {  	_ =	shalt  }
0x6f: {  	_ =	shalt  }
0x70: {  	_ =	shalt  }
0x71: {  	_ =	shalt  }
0x72: {  	_ =	shalt  }
0x73: {  	_ =	shalt  }
0x74: {  	_ =	shalt  }
0x75: {  	_ =	shalt  }
0x76: {  	_ =	shalt  }
0x77: {  	_ =	shalt  }
0x78: {  	_ =	shalt  }
0x79: {  	_ =	shalt  }
0x7a: {  	_ =	shalt  }
0x7b: {  	_ =	shalt  }
0x7c: {  	_ =	shalt  }
0x7d: {  	_ =	shalt  }
0x7e: {  	_ =	shalt  }
0x7f: {  	_ =	shalt  }
0x80: {  	_ =	shalt  }
0x81: {  	_ =	shalt  }
0x82: {  	_ =	shalt  }
0x83: {  	_ =	shalt  }
0x84: {  	_ =	shalt  }
0x85: {  	_ =	shalt  }
0x86: {  	_ =	shalt  }
0x87: {  	_ =	shalt  }
.Lfunc_end0:
.L_simem_size_0:
called_computation_lowered:
.L_overlay_start_0:
0x88: {  	s2 =	sld [smem:$0x3FD9]  }
0x89: {  	s3 =	sld [smem:$0x3FFE];
	_ =	sdelay $0x1  }
0x8a: {  	s1 =	srdreg.scid  }
0x8b: {  	s0 =	sand.u32 $0x1, s1  }
0x8c: {  	s17 =	sshll.u32 s0, $0xA;
	s2 =	sadd.s32 s3, s2  }
0x8d: {  	s2 =	sadd.s32 s2, s17  }
0x8e: {  	[smem:$0x3FB6] =	sst s2  }
0x8f: {  	_ = 	snop  }
0x90: {  	s2 =	sld [smem:$0x3FD0];
	(tm) =	ssettm $0x1  }
0x91: {  	s18 =	sld [smem:$0x3FFB];
	_ =	sdelay $0x3  }
0x92: {  	_ =	strace s18  }
0x93: {  	s3 =	sld [smem:$0x3FFC];
	_ =	sdelay $0x3  }
0x94: {  	_ =	strace s3  }
0x95: {  	s3 =	sld [smem:$0x3FFD];
	_ =	sdelay $0x3  }
0x96: {  	_ =	strace s3  }
0x97: {  	_ =	strace $0x8FFFFFFF  }
0x98: {  	s19 =	sld [smem:$0x3FDB];
	_ =	sdelay $0x1  }
0x99: {  	s4 =	simm.s32 $_scs_section_size  }
0x9a: {  	s5 =	simm.s32 $_size__tile_overlayer_lowered;
	s6 =	simm.s32 $_tile_overlayer_lowered  }
0x9b: {  	s22 =	simm.s32 $0x1BFF;
	s21 =	sshll.u32 s6, $0x1;
	s3 =	sadd.s32 s4, s19  }
0x9c: {  	s7 =	simm.s32 $0x0;
	s20 =	sshll.u32 s5, $0x1;
	s5 =	sadd.s32 s21, s3  }
0x9d: {  	[timem:s7], [sflag:s22] =	dma.local [hbm:s5], s20  }
0x9e: {  	_ =	swait.ge [sflag:s22], s20  }
0x9f: {  	s4 =	ssub.s32 $0x0, s20;
	[sflag:s22] =	ssyncset.done $0x0  }
0xa0: {  	[sflag:s22] =	ssyncadd.s32 s4;
	_ =	sdelay $0x1  }
0xa1: {  	s23 =	simm.s32 $0x1B8B  }
0xa2: {  	_ =	swait.ge [sflag:s23], $0x1  }
0xa3: {  	[sflag:s23] =	ssyncset.done $0x0  }
0xa4: {  	s25 =	simm.s32 $0x1B8E;
	s24 =	sld [smem:$0x3FFE];
	[sflag:s23] =	ssyncadd.s32 $0xFFFFFFFF  }
0xa5: {  	s26 =	simm.s32 $execute0_lowered;
	[smem:$0x3FD2] =	sst s25  }
0xa6: {  	s5 =	sshll.u32 s26, $0x1;
	_ =	strace $0x80000046;
	[dreg:$0x1] =	wrdreg $0xFFFFFFFF  }
0xa7: {  	s28 =	simm.s32 $_size_execute0_lowered;
	s3 =	sadd.s32 s3, s5;
	[dreg:$0x0] =	wrdreg $0x0  }
0xa8: {  	s5 =	sshll.u32 s28, $0x1;
	[dreg:$0x2] =	wrdreg s3  }
0xa9: {  	[dreg:$0x3] =	wrdreg s5  }
0xaa: {  	[dreg:$0x4] =	wrdreg $0xC0  }
0xab: {  	_ =	task [dreg:s7], $0x5FFFF  }
0xac: {  	[dreg:$0x1] =	wrdreg $0xFFFFFFFF  }
0xad: {  	[dreg:$0x0] =	wrdreg $0x60  }
0xae: {  	[dreg:$0x2] =	wrdreg s24  }
0xaf: {  	[dreg:$0x3] =	wrdreg s2  }
0xb0: {  	[dreg:$0x4] =	wrdreg $0x9  }
0xb1: {  	_ =	task.clear_ibuf [dreg:s7], $0x5FFFF;
	_ =	strace $0x90000046  }
0xb2: {  	s29 =	simm.s32 $0x9;
	_ =	strace $0x80000048  }
0xb3: {  	_ =	swait.ge [sflag:s29], $0x1  }
0xb4: {  	[sflag:s29] =	ssyncadd.s32 $0xFFFFFFFF  }
0xb5: {  	_ =	strace $0x90000048  }
0xb6: {  	_ =	sfence  }
0xb7: {  	s30 =	sld [smem:$0x0];
	_ =	sdelay $0x2  }
0xb8: {  	s31 =	sshll.u32 s1, $0xD;
	s1 =	sshrl.u32 s1, $0x2  }
0xb9: {  	s3 =	sand.u32 $0x4000, s31;
	s1 =	sadd.s32 s1, s30  }
0xba: {  	s0 =	sor.u32 s3, s0;
	s1 =	sshll.u32 s1, $0x11  }
0xbb: {  	s0 =	sor.u32 s1, s0  }
0xbc: {  	s0 =	sadd.s32 $0x8F2B, s0  }
0xbd: {  	[sflag:s0] =	ssyncadd.remote.s32 $0x1  }
0xbe: {  	_ =	sfence.sel $0xFFFF  }
0xbf: {  	[dreg:$0x0] =	wrdreg $0xFFFFFFFF;
	(pc) =	sbr.abs _section_cstart, $3  }
0xc0: {  	[dreg:$0x1] =	wrdreg $0xFFFFFFFF  }
0xc1: {  	_ =	task.clear_ibuf [dreg:s7], $0x2FFFF;
	_ =	strace $0x9FFFFFFF  }
0xc2: {  	(tm) =	ssettm $0x7FFFFFFF  }
0xc3: {  	_ =	shalt  }
tec
execute0_lowered:
.L_overlay_start_1:
0x0: {  	(tag) =	ssettag $0x1  }
0x1: {  	s5 =	rddreg [dreg:$0x0];
	s1 =	srdreg.scid  }
0x2: {  	s0 =	stileid.u32;
	s2 =	rddreg [dreg:$0x1];
	s3 =	simm.s32 $0x0  }
0x3: {  	s11 =	simm.s32 $0x80;
	s12 =	simm.s32 $0x400;
	s13 =	simm.s32 $0xFA00  }
0x4: {  	s14 =	simm.s32 $0xFE00;
	s15 =	simm.s32 $0x10200;
	s16 =	simm.s32 $0x17F00  }
0x5: {  	s6 =	sand.u32 $0x1, s1;
	s4 =	sshll.u32 s0, $0x1;
	s1 =	rddreg [dreg:$0x2]  }
0x6: {  	s17 =	simm.s32 $0x0;
	[smem:$0x7FF] =	sst s3;
	s7 =	sor.u32 s6, s4  }
0x7: {  	s8 =	sshll.u32 s0, $0x8;
	s4 =	smul.u32 $0xFA00, s7;
	s7 =	sshll.u32 s7, $0x4  }
0x8: {  	_ =	strace $0x80000047;
	s6 =	ssub.s32 $0x2, s6;
	s7 =	sor.u32 s8, s7  }
0x9: {  	s31 =	sshrl.u32 s6, $0x1;
	s9 =	sshrl.u32 s4, $0x3;
	s7 =	sand.u32 $0xC70, s7  }
0xa: {  	s30 =	sadd.s32 s9, s5;
	s10 =	sadd.s32 s7, s5;
	s5 =	sadd.s32 $0x42C00, s5  }
0xb: {  	s9 =	ssub.s32 s6, s31;
	s6 =	sadd.s32 $0x2400, s30;
	s7 =	sadd.s32 $0x40C00, s10  }
0xc: {  	vm0 =	vmmov $0xf;
	vm1 =	vcmask $0x3F14;
	s8 =	sadd.s32 $0x41C00, s10;
	s9 =	smax.u32 s9, $0x1;
	s10 =	simm.s32 $0x1  }
.LBB2_1:
0xd: {  	[tilespmem:s3], [sflag:$0x1] =	stream.linear.gather [hbm4b:s6+s3], $0xFA00, $0x38;
	[tilespmem:$0x19E80] =	vst v63  }
0xe: {  	_ =	swait.ge [sflag:s10], $0xFA00  }
0xf: {  	[sflag:s10] =	ssyncset.done $0x0  }
0x10: {  	[sflag:s10] =	ssyncadd.s32 $0xFFFF0600  }
0x11: {  	[tilespmem:s13], [sflag:$0x1] =	stream.strided.gather [hbm4b:s7+s11], $0x400, s12, s11, $0x38;
	[tilespmem:$0x19E80] =	vst v63  }
0x12: {  	_ =	swait.ge [sflag:s10], $0x400  }
0x13: {  	[sflag:s10] =	ssyncset.done $0x0  }
0x14: {  	[sflag:s10] =	ssyncadd.s32 $0xFFFFFC00  }
0x15: {  	[tilespmem:s14], [sflag:$0x1] =	stream.strided.gather [hbm4b:s8+s11], $0x400, s12, s11, $0x38;
	[tilespmem:$0x19E80] =	vst v63  }
0x16: {  	_ =	swait.ge [sflag:s10], $0x400  }
0x17: {  	[sflag:s10] =	ssyncset.done $0x0  }
0x18: {  	[sflag:s10] =	ssyncadd.s32 $0xFFFFFC00  }
0x19: {  	[tilespmem:s15], [sflag:$0x1] =	stream.linear.gather [hbm4b:s2+s3], $0x7D00, $0x38;
	[tilespmem:$0x19E80] =	vst v63  }
0x1a: {  	_ =	swait.ge [sflag:s10], $0x7D00  }
0x1b: {  	s18 =	simm.s32 $0x10210;
	[sflag:s10] =	ssyncset.done $0x0  }
0x1c: {  	s19 =	simm.s32 $0x0;
	s20 =	simm.s32 $0x0;
	[sflag:s10] =	ssyncadd.s32 $0xFFFF8300  }
.LBB2_2:
0x1d: {  	s21 =	simm.s32 $0x0;
	s22 =	simm.s32 $0x17F20;
	s23 =	smov.u32 s18  }
.LBB2_3:
0x1e: {  	v1 =	vld [tilespmem:s23+$0xFFFFFFF0]  }
0x1f: {  	s24 =	sadd.s32 s21, s19  }
0x20: {  	v2 =	vld [tilespmem:s23+$0x0];
	v0 =	vmov s24;
	_ =	sdelay $0x4  }
0x21: {  	v0 =	vld.idx.msk [tilespmem:v0+s13+$0x0], $0xffff  }
0x22: {  	v3 =	vld.idx.msk [tilespmem:v1+s14+$0x0], $0xffff;
	_ =	sdelay $0x1  }
0x23: {  	v4 =	vld.idx.msk [tilespmem:v2+s14+$0x0], $0xffff;
	_ =	sdelay $0x2  }
0x24: {  	v3 =	vadd.f32 v3, v0;
	_ =	sdelay $0x1  }
0x25: {  	v0 =	vadd.f32 v4, v0;
	v5 =	vmul.f32 $2.000000030e-01, v3  }
0x26: {  	vm2 =	vgt.f32 v3, $0.0e+00  }
0x27: {  	v4 =	vmul.f32 $2.000000030e-01, v0;
	v3 =	vsel vm2, v3, v5;
	vm2 =	veq.s32 v2, s24  }
0x28: {  	vm3 =	veq.s32 v1, s24;
	vm4 =	vgt.f32 v0, $0.0e+00;
	vm2 =	vmand vm2, vm0  }
0x29: {  	v0 =	vsel vm4, v0, v4;
	v3 =	vsel vm3, $0xCE6E6B28, v3;
	vm2 =	vmor vm2, vm1  }
0x2a: {  	(xrf0) =	vmax.scan.msk.f32 $0xffff, v3;
	v0 =	vsel vm2, $0xCE6E6B28, v0  }
0x2b: {  	(xrf0) =	vmax.scan.msk.f32 $0xffff, v0;
	_ =	sdelay $0x4  }
0x2c: {  	v31, _, _ =	vpop (xrf0)  }
0x2d: {  	(v2sf) =	vpush v31, $0xF;
	v32, _, _ =	vpop (xrf0)  }
0x2e: {  	(v2sf) =	vpush v32, $0xF;
	_ =	sdelay $0xd  }
0x2f: {  	s26 =	spop (v2sf)  }
0x30: {  	s25 =	spop (v2sf)  }
0x31: {  	s24 =	smax.f32 s26, s25  }
0x32: {  	v33 =	vmov s24  }
0x33: {  	v3 =	vsub.f32 v3, v33  }
0x34: {  	v0 =	vsub.f32 v0, v33  }
0x35: {  	v3 =	vmul.f32 $1.442695020e+00, v3  }
0x36: {  	v0 =	vmul.f32 $1.442695020e+00, v0  }
0x37: {  	(erf) = vpow2.f32 v3  }
0x38: {  	(erf) = vpow2.f32 v0;
	_ =	sdelay $0x7  }
0x39: {  	v34 =	vpop (erf)  }
0x3a: {  	v0 =	vpop (erf);
	(xrf2) =	vadd.scan.msk.f32 $0xffff, v34  }
0x3b: {  	(xrf2) =	vadd.scan.msk.f32 $0xffff, v0;
	_ =	sdelay $0x8  }
0x3c: {  	v35, _, _ =	vpop (xrf2)  }
0x3d: {  	v1 =	vshll.u32 v1, $0x8;
	(v2sf) =	vpush v35, $0xF;
	v36, _, _ =	vpop (xrf2)  }
0x3e: {  	v4 =	vshra.s32 v1, $0x2;
	(v2sf) =	vpush v36, $0xF  }
0x3f: {  	(v2sf) =	vpush v4, $0x0;
	_ =	sdelay $0x3  }
0x40: {  	(v2sf) =	vpush v4, $0x1;
	_ =	sdelay $0x3  }
0x41: {  	(v2sf) =	vpush v4, $0x2;
	_ =	sdelay $0x3  }
0x42: {  	(v2sf) =	vpush v4, $0x3  }
0x43: {  	s28 =	spop (v2sf)  }
0x44: {  	s29 =	spop (v2sf)  }
0x45: {  	s26 =	spop (v2sf)  }
0x46: {  	(v2sf) =	vpush v4, $0x4;
	v6 =	vld [tilespmem:s26+$0x0]  }
0x47: {  	v7 =	vld [tilespmem:s26+$0x10]  }
0x48: {  	v8 =	vld [tilespmem:s26+$0x20]  }
0x49: {  	v9 =	vld [tilespmem:s26+$0x30];
	s30 =	spop (v2sf)  }
0x4a: {  	(v2sf) =	vpush v4, $0x5;
	s24 =	sadd.f32 s29, s28;
	v10 =	vld [tilespmem:s30+$0x0]  }
0x4b: {  	v11 =	vld [tilespmem:s30+$0x10]  }
0x4c: {  	s24 =	sadd.f32 $1.000000020e-16, s24;
	v12 =	vld [tilespmem:s30+$0x20]  }
0x4d: {  	v13 =	vld [tilespmem:s30+$0x30];
	s31 =	spop (v2sf)  }
0x4e: {  	(v2sf) =	vpush v4, $0x6;
	v14 =	vld [tilespmem:s31+$0x0];
	v37 =	vmov s24  }
0x4f: {  	v15 =	vld [tilespmem:s31+$0x10];
	(erf) = vrcp.f32 v37  }
0x50: {  	v16 =	vld [tilespmem:s31+$0x20]  }
0x51: {  	(v2sf) =	vpush v4, $0x7;
	v17 =	vld [tilespmem:s31+$0x30];
	s25 =	spop (v2sf)  }
0x52: {  	v18 =	vld [tilespmem:s25+$0x0]  }
0x53: {  	v19 =	vld [tilespmem:s25+$0x10]  }
0x54: {  	v20 =	vld [tilespmem:s25+$0x20]  }
0x55: {  	v21 =	vld [tilespmem:s25+$0x30];
	s26 =	spop (v2sf)  }
0x56: {  	(v2sf) =	vpush v4, $0x8;
	v38 =	vld [tilespmem:s26+$0x0]  }
0x57: {  	v22 =	vld [tilespmem:s26+$0x10]  }
0x58: {  	v3 =	vpop (erf);
	v24 =	vld [tilespmem:s26+$0x20]  }
0x59: {  	v25 =	vld [tilespmem:s26+$0x30];
	s28 =	spop (v2sf);
	v1 =	vmul.f32 v3, v34  }
0x5a: {  	(v2sf) =	vpush v4, $0x9;
	v26 =	vld [tilespmem:s28+$0x0];
	v0 =	vmul.f32 v3, v0  }
0x5b: {  	v28 =	vld [tilespmem:s28+$0x10];
	v23 =	vbroadcast v1, $0x0;
	v27 =	vbroadcast v1, $0x1  }
0x5c: {  	v29 =	vld [tilespmem:s28+$0x20];
	v41 =	vbroadcast v1, $0x2;
	v47 =	vbroadcast v1, $0x3  }
0x5d: {  	v30 =	vld [tilespmem:s28+$0x30];
	s29 =	spop (v2sf);
	v53 =	vbroadcast v1, $0x4;
	v58 =	vbroadcast v1, $0x5  }
0x5e: {  	(v2sf) =	vpush v4, $0xA;
	v39 =	vld [tilespmem:s29+$0x0];
	v33 =	vbroadcast v1, $0x6;
	v6 =	vmul.f32 v23, v6  }
0x5f: {  	v31 =	vld [tilespmem:s29+$0x10];
	v7 =	vmul.f32 v23, v7;
	v8 =	vmul.f32 v23, v8  }
0x60: {  	v2 =	vshll.u32 v2, $0x8;
	v44 =	vld [tilespmem:s29+$0x30];
	s30 =	spop (v2sf);
	v10 =	vmul.f32 v27, v10;
	v9 =	vmul.f32 v23, v9  }
0x61: {  	v45 =	vld [tilespmem:s30+$0x0];
	v11 =	vmul.f32 v27, v11;
	v40 =	vmul.f32 v27, v12;
	v7 =	vadd.f32 $0.0e+00, v7  }
0x62: {  	(v2sf) =	vpush v4, $0xB;
	v48 =	vld [tilespmem:s30+$0x10];
	v42 =	vmul.f32 v27, v13;
	v43 =	vmul.f32 v41, v14  }
0x63: {  	v15 =	vmul.f32 v41, v15;
	v16 =	vmul.f32 v41, v16;
	v13 =	vld [tilespmem:s30+$0x20];
	v7 =	vadd.f32 v7, v11  }
0x64: {  	v2 =	vshra.s32 v2, $0x2;
	v46 =	vmul.f32 v41, v17;
	v49 =	vmul.f32 v47, v18;
	v11 =	vld [tilespmem:s29+$0x20]  }
0x65: {  	v50 =	vmul.f32 v47, v19;
	v51 =	vmul.f32 v47, v20;
	v7 =	vadd.f32 v7, v15;
	v15 =	vld [tilespmem:s30+$0x30];
	s31 =	spop (v2sf)  }
0x66: {  	v52 =	vmul.f32 v47, v21;
	v5 =	vmul.f32 v53, v38;
	(v2sf) =	vpush v4, $0xC;
	v19 =	vld [tilespmem:s31+$0x0]  }
0x67: {  	v56 =	vmul.f32 v53, v22;
	v57 =	vmul.f32 v53, v24;
	v6 =	vadd.f32 $0.0e+00, v6;
	v54 =	vld [tilespmem:s31+$0x10]  }
0x68: {  	v60 =	vmul.f32 v53, v25;
	v61 =	vmul.f32 v58, v26;
	v8 =	vadd.f32 $0.0e+00, v8;
	v55 =	vld [tilespmem:s31+$0x20]  }
0x69: {  	v62 =	vmul.f32 v58, v28;
	v9 =	vadd.f32 $0.0e+00, v9;
	v6 =	vadd.f32 v6, v10;
	v18 =	vld [tilespmem:s31+$0x30];
	s25 =	spop (v2sf)  }
0x6a: {  	v32 =	vmul.f32 v29, v58;
	v8 =	vadd.f32 v8, v40;
	(v2sf) =	vpush v4, $0xD;
	v24 =	vld [tilespmem:s25+$0x0]  }
0x6b: {  	v35 =	vmul.f32 v30, v58;
	v9 =	vadd.f32 v9, v42;
	v6 =	vadd.f32 v6, v43;
	v10 =	vld [tilespmem:s25+$0x10]  }
0x6c: {  	v37 =	vmul.f32 v39, v33;
	v39 =	vmul.f32 v31, v33;
	v8 =	vadd.f32 v8, v16;
	v63 =	vld [tilespmem:s25+$0x20]  }
0x6d: {  	v40 =	vbroadcast v1, $0x7;
	v9 =	vadd.f32 v9, v46;
	v6 =	vadd.f32 v6, v49;
	v34 =	vld [tilespmem:s25+$0x30];
	s26 =	spop (v2sf)  }
0x6e: {  	v43 =	vmul.f32 v44, v33;
	v7 =	vadd.f32 v7, v50;
	(v2sf) =	vpush v4, $0xE;
	v36 =	vld [tilespmem:s26+$0x0]  }
0x6f: {  	v45 =	vmul.f32 v45, v40;
	v8 =	vadd.f32 v8, v51;
	v9 =	vadd.f32 v9, v52;
	v38 =	vld [tilespmem:s26+$0x10]  }
0x70: {  	v47 =	vmul.f32 v48, v40;
	v5 =	vadd.f32 v6, v5;
	v59 =	vadd.f32 v7, v56;
	v41 =	vld [tilespmem:s26+$0x20]  }
0x71: {  	v49 =	vbroadcast v1, $0x8;
	v8 =	vadd.f32 v8, v57;
	v7 =	vadd.f32 v9, v60;
	v44 =	vld [tilespmem:s26+$0x30];
	s28 =	spop (v2sf)  }
0x72: {  	v51 =	vmul.f32 v13, v40;
	v5 =	vadd.f32 v5, v61;
	(v2sf) =	vpush v4, $0xF;
	v46 =	vld [tilespmem:s28+$0x0]  }
0x73: {  	v42 =	vmul.f32 v11, v33;
	v6 =	vadd.f32 v59, v62;
	v7 =	vadd.f32 v7, v35;
	v48 =	vld [tilespmem:s28+$0x10]  }
0x74: {  	v56 =	vbroadcast v1, $0x9;
	v8 =	vadd.f32 v8, v32;
	v50 =	vld [tilespmem:s28+$0x20];
	v5 =	vadd.f32 v5, v37  }
0x75: {  	v15 =	vmul.f32 v15, v40;
	v52 =	vld [tilespmem:s28+$0x30];
	v6 =	vadd.f32 v6, v39;
	v7 =	vadd.f32 v7, v43;
	s29 =	spop (v2sf)  }
0x76: {  	v37 =	vbroadcast v1, $0xB;
	v43 =	vbroadcast v1, $0xC;
	(v2sf) =	vpush v2, $0x0;
	v53 =	vld [tilespmem:s29+$0x0]  }
0x77: {  	v8 =	vadd.f32 v8, v42;
	v19 =	vmul.f32 v19, v49;
	v16 =	vmul.f32 v55, v49;
	v55 =	vld [tilespmem:s29+$0x10]  }
0x78: {  	v54 =	vmul.f32 v54, v49;
	v58 =	vmul.f32 v18, v49;
	v5 =	vadd.f32 v5, v45;
	v57 =	vld [tilespmem:s29+$0x20]  }
0x79: {  	v6 =	vadd.f32 v47, v6;
	v8 =	vadd.f32 v51, v8;
	v60 =	vmul.f32 v24, v56;
	v59 =	vld [tilespmem:s29+$0x30];
	s30 =	spop (v2sf)  }
0x7a: {  	v62 =	vmul.f32 v63, v56;
	v63 =	vbroadcast v1, $0xA;
	(v2sf) =	vpush v2, $0x1;
	v61 =	vld [tilespmem:s30+$0x0]  }
0x7b: {  	v7 =	vadd.f32 v15, v7;
	v10 =	vmul.f32 v10, v56;
	v31 =	vmul.f32 v34, v56;
	v30 =	vld [tilespmem:s30+$0x10]  }
0x7c: {  	v5 =	vadd.f32 v19, v5;
	v6 =	vadd.f32 v54, v6;
	v33 =	vmul.f32 v36, v63;
	v32 =	vld [tilespmem:s30+$0x20]  }
0x7d: {  	v8 =	vadd.f32 v16, v8;
	v34 =	vmul.f32 v38, v63;
	v36 =	vmul.f32 v41, v63;
	v35 =	vld [tilespmem:s30+$0x30];
	s31 =	spop (v2sf)  }
0x7e: {  	v39 =	vmul.f32 v44, v63;
	v4 =	vmul.f32 v46, v37;
	(v2sf) =	vpush v2, $0x2;
	v38 =	vld [tilespmem:s31+$0x0]  }
0x7f: {  	v7 =	vadd.f32 v58, v7;
	v42 =	vmul.f32 v48, v37;
	v17 =	vmul.f32 v50, v37;
	v40 =	vld [tilespmem:s31+$0x10]  }
0x80: {  	v13 =	vmul.f32 v52, v37;
	v5 =	vadd.f32 v60, v5;
	v6 =	vadd.f32 v10, v6;
	v41 =	vld [tilespmem:s31+$0x20]  }
0x81: {  	v52 =	vbroadcast v1, $0xD;
	v8 =	vadd.f32 v62, v8;
	v7 =	vadd.f32 v31, v7;
	v44 =	vld [tilespmem:s31+$0x30];
	s25 =	spop (v2sf)  }
0x82: {  	v37 =	vbroadcast v0, $0x1;
	v5 =	vadd.f32 v33, v5;
	(v2sf) =	vpush v2, $0x3;
	v45 =	vld [tilespmem:s25+$0x0]  }
0x83: {  	v31 =	vbroadcast v0, $0x0;
	v6 =	vadd.f32 v34, v6;
	v8 =	vadd.f32 v36, v8;
	v48 =	vld [tilespmem:s25+$0x10]  }
0x84: {  	v7 =	vadd.f32 v39, v7;
	v4 =	vadd.f32 v4, v5;
	v50 =	vld [tilespmem:s25+$0x20];
	v47 =	vmul.f32 v53, v43  }
0x85: {  	v46 =	vadd.f32 v42, v6;
	v51 =	vmul.f32 v55, v43;
	v53 =	vld [tilespmem:s25+$0x30];
	v19 =	vmul.f32 v57, v43;
	s26 =	spop (v2sf)  }
0x86: {  	v11 =	vmul.f32 v59, v43;
	v59 =	vbroadcast v1, $0xE;
	(v2sf) =	vpush v2, $0x4;
	v54 =	vld [tilespmem:s26+$0x0]  }
0x87: {  	v49 =	vadd.f32 v17, v8;
	v1 =	vbroadcast v1, $0xF;
	v56 =	vmul.f32 v61, v52;
	v58 =	vld [tilespmem:s26+$0x10]  }
0x88: {  	v7 =	vadd.f32 v13, v7;
	v57 =	vmul.f32 v30, v52;
	v15 =	vmul.f32 v32, v52;
	v60 =	vld [tilespmem:s26+$0x20]  }
0x89: {  	v61 =	vmul.f32 v35, v52;
	v4 =	vadd.f32 v47, v4;
	v55 =	vadd.f32 v51, v46;
	s28 =	spop (v2sf);
	v62 =	vld [tilespmem:s26+$0x30]  }
0x8a: {  	v3 =	vadd.f32 v19, v49;
	v63 =	vmul.f32 v38, v59;
	v23 =	vmul.f32 v40, v59;
	v21 =	vld [tilespmem:s28+$0x0]  }
0x8b: {  	v7 =	vadd.f32 v11, v7;
	v25 =	vmul.f32 v41, v59;
	v26 =	vmul.f32 v44, v59;
	v24 =	vld [tilespmem:s28+$0x10]  }
0x8c: {  	v44 =	vbroadcast v0, $0x2;
	v51 =	vbroadcast v0, $0x3;
	v4 =	vadd.f32 v56, v4;
	v27 =	vld [tilespmem:s28+$0x20]  }
0x8d: {  	v0 =	vbroadcast v0, $0x4;
	v28 =	vmul.f32 v45, v1;
	v3 =	vadd.f32 v15, v3;
	s29 =	spop (v2sf);
	v29 =	vld [tilespmem:s28+$0x30]  }
0x8e: {  	v9 =	vmul.f32 v48, v1;
	v5 =	vadd.f32 v61, v7;
	v4 =	vadd.f32 v63, v4;
	v32 =	vld [tilespmem:s29+$0x0]  }
0x8f: {  	v30 =	vmul.f32 v50, v1;
	v3 =	vadd.f32 v25, v3;
	v2 =	vadd.f32 v57, v55;
	v33 =	vld [tilespmem:s29+$0x10]  }
0x90: {  	v1 =	vmul.f32 v53, v1;
	v5 =	vadd.f32 v26, v5;
	v4 =	vadd.f32 v28, v4;
	v35 =	vld [tilespmem:s29+$0x20]  }
0x91: {  	v3 =	vadd.f32 v30, v3;
	v2 =	vadd.f32 v23, v2;
	s30 =	spop (v2sf);
	v38 =	vld [tilespmem:s29+$0x30];
	v34 =	vmul.f32 v54, v31  }
0x92: {  	v1 =	vadd.f32 v1, v5;
	v40 =	vld [tilespmem:s30+$0x0];
	v36 =	vmul.f32 v58, v31;
	v39 =	vmul.f32 v60, v31  }
0x93: {  	v2 =	vadd.f32 v9, v2;
	v42 =	vld [tilespmem:s30+$0x10];
	v8 =	vmul.f32 v62, v31;
	v41 =	vmul.f32 v21, v37  }
0x94: {  	v45 =	vld [tilespmem:s30+$0x20];
	v10 =	vmul.f32 v24, v37;
	v43 =	vmul.f32 v27, v37;
	v4 =	vadd.f32 v34, v4  }
0x95: {  	v47 =	vld [tilespmem:s30+$0x30];
	v46 =	vmul.f32 v29, v37;
	v2 =	vadd.f32 v36, v2;
	v3 =	vadd.f32 v39, v3;
	s31 =	spop (v2sf)  }
0x96: {  	v1 =	vadd.f32 v8, v1;
	v48 =	vmul.f32 v32, v44;
	v50 =	vmul.f32 v33, v44;
	v49 =	vld [tilespmem:s31+$0x0]  }
0x97: {  	v53 =	vmul.f32 v35, v44;
	v54 =	vmul.f32 v38, v44;
	v4 =	vadd.f32 v41, v4;
	v52 =	vld [tilespmem:s31+$0x10]  }
0x98: {  	v56 =	vmul.f32 v40, v51;
	v58 =	vmul.f32 v42, v51;
	v2 =	vadd.f32 v10, v2;
	v55 =	vld [tilespmem:s31+$0x20]  }
0x99: {  	v59 =	vmul.f32 v45, v51;
	v3 =	vadd.f32 v43, v3;
	v4 =	vadd.f32 v48, v4;
	v57 =	vld [tilespmem:s31+$0x30]  }
0x9a: {  	v61 =	vmul.f32 v47, v51;
	v1 =	vadd.f32 v46, v1;
	v2 =	vadd.f32 v50, v2  }
0x9b: {  	v3 =	vadd.f32 v53, v3;
	v4 =	vadd.f32 v56, v4;
	v60 =	vmul.f32 v49, v0  }
0x9c: {  	v1 =	vadd.f32 v54, v1;
	v2 =	vadd.f32 v58, v2;
	v62 =	vmul.f32 v52, v0  }
0x9d: {  	p0 =	sne.s32 s21, $0x7C;
	v3 =	vadd.f32 v59, v3;
	v63 =	vmul.f32 v55, v0;
	v4 =	vadd.f32 v60, v4  }
.Ltmp0:
0x9e: {  	v1 =	vadd.f32 v61, v1;
	v0 =	vmul.f32 v57, v0;
	v2 =	vadd.f32 v62, v2;
	(pc) =	sbr.rel @p0 .LBB2_3-.Ltmp0, $4  }
0x9f: {  	v3 =	vadd.f32 v63, v3;
	[tilespmem:s22+$0xFFFFFFE0] =	vst v4  }
0xa0: {  	v0 =	vadd.f32 v0, v1;
	[tilespmem:s22+$0xFFFFFFF0] =	vst v2  }
0xa1: {  	[tilespmem:s22+$0x0] =	vst v3  }
0xa2: {  	s23 =	sadd.s32 $0x20, s23;
	s21 =	sadd.s32 $0x1, s21;
	[tilespmem:s22+$0x10] =	vst v0;
	s22 =	sadd.s32 $0x40, s22  }
0xa3: {  	s21 =	smul.u32 $0x1F40, s20;
	_ =	sdelay $0x1  }
0xa4: {  	s20 =	sadd.s32 $0x1, s20;
	s21 =	sadd.s32 s4, s21  }
0xa5: {  	p0 =	sne.s32 s20, $0x8;
	s21 =	sshrl.u32 s21, $0x3  }
.Ltmp1:
0xa6: {  	s21 =	sadd.s32 s5, s21;
	(pc) =	sbr.rel @p0 .LBB2_2-.Ltmp1, $4  }
0xa7: {  	[hbm4b:s21+s3] =	stream.linear.scatter [tilespmem:s16], [sflag:$0x1], $0x1F40, $0x38;
	[tilespmem:$0x19E80] =	vst v63  }
0xa8: {  	_ =	swait.ge [sflag:s10], $0x1F40  }
0xa9: {  	[sflag:s10] =	ssyncset.done $0x0  }
0xaa: {  	s18 =	sadd.s32 $0xFA0, s18;
	s19 =	sadd.s32 $0x7D, s19;
	[sflag:s10] =	ssyncadd.s32 $0xFFFFE0C0  }
0xab: {  	s17 =	sadd.s32 $0x1, s17  }
0xac: {  	p0 =	sne.s32 s17, s9  }
.Ltmp2:
0xad: {  	_ = 	snop;
	(pc) =	sbr.rel @p0 .LBB2_1-.Ltmp2, $1  }
0xae: {  	_ =	sdelay $0x3  }
0xaf: {  	_ =	sfence.sel $0x180000  }
0xb0: {  	[bflag:$0x0] =	sbarrier.arrive $0xFFFF  }
0xb1: {  	p0 =	sne.s32 s0, $0x0;
	_ =	strace $0x90000047  }
0xb2: {  	s0 =	sadd.s32 @!p0 $0x100000, s1;
	[bflag:$0x2] =	sbarrier.arrive $0xFFFF  }
0xb3: {  	[sflag:s0] =	ssyncadd.tile.s32 @!p0 $0x1;
	_ =	shalt  }
.Lfunc_end2:
_tile_overlayer_lowered:
.L_overlay_start_2:
0xb4: {  	(tag) =	ssettag $0x2  }
0xb5: {  	s0 =	rddreg [dreg:$0x0];
	s2 =	stileid.u32  }
0xb6: {  	s1 =	rddreg [dreg:$0x1];
	p0 =	sne.s32 s2, $0x0  }
0xb7: {  	s3 =	rddreg [dreg:$0x2];
	[bflag:$0x3] =	sbarrier.arrive $0xFFFF;
	s2 =	simm.s32 @!p0 $0x1C01  }
0xb8: {  	[timem:s3], [sflag:s2] =	dma.local @!p0 [hbm:s0], s1  }
0xb9: {  	s0 =	simm.s32 @!p0 $0x1  }
0xba: {  	_ =	swait.ge @!p0 [sflag:s0], s1  }
0xbb: {  	s1 =	ssub.s32 @!p0 $0x0, s1;
	[sflag:s0] =	ssyncset.done @!p0 $0x0  }
0xbc: {  	[sflag:s0] =	ssyncadd.s32 @!p0 s1  }
0xbd: {  	[bflag:$0x3] =	sbarrier.arrive $0xFFFF  }
0xbe: {  	_ =	shalt  }

</sc_bundles>
